<compile_context>
chip_gen: v7x
topology: tpu7x:2x2x1
jax: 0.10.2.dev20260603
libtpu: 0.0.44.dev20260713+nightly
codegen_flags: <defaults>
</compile_context>

<pallas_src>
import functools

import jax
import jax.numpy as jnp
from jax import lax
from jax.experimental import pallas as pl
from jax.experimental.pallas import tpu as pltpu
from jax.experimental.pallas import tpu_sc as plsc

N_NODES = 100000
N_EDGES = 100000
N_CONN = 6400000
W_MAX = 1.0

NC = 2
NS = 16
LANES = 16

NW = NC * NS
PER_W = N_CONN // NW
CHUNK = 10000
NCH = PER_W // CHUNK
TPAD = 102400
TSLICE = TPAD // NS

_vmesh = plsc.VectorSubcoreMesh(core_axis_name="c", subcore_axis_name="s")
_sc_params = pltpu.CompilerParams(needs_layout_passes=False)


def _fill(ref, n, value):
    def body(i, _):
        ref[pl.ds(i * LANES, LANES)] = jnp.full((LANES,), value, jnp.float32)
        return 0
    lax.fori_loop(0, n // LANES, body, 0)


@functools.partial(
    pl.kernel,
    mesh=_vmesh,
    out_type=[
        jax.ShapeDtypeStruct((NC * TPAD,), jnp.float32),
        jax.ShapeDtypeStruct((NC * TPAD,), jnp.float32),
    ],
    compiler_params=_sc_params,
    scratch_types=[
        pltpu.VMEM((CHUNK,), jnp.int32),
        pltpu.VMEM((CHUNK,), jnp.int32),
        pltpu.VMEM((CHUNK,), jnp.int32),
        pltpu.VMEM((CHUNK,), jnp.int32),
        pltpu.VMEM((CHUNK,), jnp.float32),
        pltpu.VMEM((CHUNK,), jnp.float32),
        pltpu.VMEM((CHUNK,), jnp.float32),
        pltpu.VMEM((TSLICE,), jnp.float32),
        pltpu.VMEM_SHARED((TPAD,), jnp.float32),
        pltpu.VMEM_SHARED((TPAD,), jnp.float32),
        pltpu.VMEM_SHARED((TPAD,), jnp.float32),
        pltpu.SemaphoreType.DMA,
        pltpu.SemaphoreType.DMA,
        pltpu.SemaphoreType.DMA,
    ],
)
def _edge_accum(x_hbm, he_hbm, s_out, c_out, ni0, ni1, ei0, ei1, v0, v1,
                ones_v, stage_v, x_sp, s_sp, c_sp, gsem, sem0, sem1):
    cid = lax.axis_index("c")
    sid = lax.axis_index("s")
    wid = sid * NC + cid
    tlo = sid * TSLICE
    tsl = pl.ds(tlo, TSLICE)

    _fill(stage_v, TSLICE, 0.0)
    pltpu.sync_copy(stage_v, s_sp.at[tsl])
    pltpu.sync_copy(stage_v, c_sp.at[tsl])
    _fill(ones_v, CHUNK, 1.0)
    pltpu.sync_copy(x_hbm.at[tsl], stage_v)
    pltpu.sync_copy(stage_v, x_sp.at[tsl])
    plsc.subcore_barrier()

    def load_idx(chunk, ni, ei):
        base = wid * PER_W + chunk * CHUNK
        pltpu.sync_copy(he_hbm.at[pl.ds(base, CHUNK)], ni)
        pltpu.sync_copy(he_hbm.at[pl.ds(N_CONN + base, CHUNK)], ei)

    load_idx(0, ni0, ei0)
    pltpu.async_copy(x_sp.at[ni0], v0, gsem).wait()

    def pipe_body(j, _):
        c0 = 2 * j
        s0 = pltpu.async_copy(v0, s_sp.at[ei0], sem0, add=True)
        c0d = pltpu.async_copy(ones_v, c_sp.at[ei0], sem0, add=True)
        load_idx(c0 + 1, ni1, ei1)
        pltpu.async_copy(x_sp.at[ni1], v1, gsem).wait()
        s1 = pltpu.async_copy(v1, s_sp.at[ei1], sem1, add=True)
        c1d = pltpu.async_copy(ones_v, c_sp.at[ei1], sem1, add=True)
        s0.wait()
        c0d.wait()
        load_idx(jnp.minimum(c0 + 2, NCH - 1), ni0, ei0)
        pltpu.async_copy(x_sp.at[ni0], v0, gsem).wait()
        s1.wait()
        c1d.wait()
        return 0

    lax.fori_loop(0, NCH // 2, pipe_body, 0)
    plsc.subcore_barrier()

    pltpu.sync_copy(s_sp.at[tsl], stage_v)
    pltpu.sync_copy(stage_v, s_out.at[pl.ds(cid * TPAD + tlo, TSLICE)])
    pltpu.sync_copy(c_sp.at[tsl], stage_v)
    pltpu.sync_copy(stage_v, c_out.at[pl.ds(cid * TPAD + tlo, TSLICE)])


@functools.partial(
    pl.kernel,
    mesh=_vmesh,
    out_type=jax.ShapeDtypeStruct((NC * TPAD,), jnp.float32),
    compiler_params=_sc_params,
    scratch_types=[
        pltpu.VMEM((CHUNK,), jnp.int32),
        pltpu.VMEM((CHUNK,), jnp.int32),
        pltpu.VMEM((CHUNK,), jnp.int32),
        pltpu.VMEM((CHUNK,), jnp.int32),
        pltpu.VMEM((CHUNK,), jnp.float32),
        pltpu.VMEM((CHUNK,), jnp.float32),
        pltpu.VMEM((TSLICE,), jnp.float32),
        pltpu.VMEM((TSLICE,), jnp.float32),
        pltpu.VMEM((TSLICE,), jnp.float32),
        pltpu.VMEM((TSLICE,), jnp.float32),
        pltpu.VMEM((TSLICE,), jnp.float32),
        pltpu.VMEM((TSLICE,), jnp.float32),
        pltpu.VMEM_SHARED((TPAD,), jnp.float32),
        pltpu.VMEM_SHARED((TPAD,), jnp.float32),
        pltpu.SemaphoreType.DMA,
        pltpu.SemaphoreType.DMA,
        pltpu.SemaphoreType.DMA,
    ],
)
def _node_scatter(he_hbm, s_hbm, c_hbm, wh_hbm, se_hbm, out_p, ni0, ni1,
                  ei0, ei1, v0, v1, sa_v, sb_v, ca_v, cb_v, wh_v, se_v,
                  g_sp, o_sp, gsem, sem0, sem1):
    cid = lax.axis_index("c")
    sid = lax.axis_index("s")
    wid = sid * NC + cid
    tlo = sid * TSLICE
    tsl = pl.ds(tlo, TSLICE)

    pltpu.sync_copy(s_hbm.at[tsl], sa_v)
    pltpu.sync_copy(s_hbm.at[pl.ds(TPAD + tlo, TSLICE)], sb_v)
    pltpu.sync_copy(c_hbm.at[tsl], ca_v)
    pltpu.sync_copy(c_hbm.at[pl.ds(TPAD + tlo, TSLICE)], cb_v)
    pltpu.sync_copy(wh_hbm.at[tsl], wh_v)
    pltpu.sync_copy(se_hbm.at[tsl], se_v)

    def g_body(i, _):
        dsl = pl.ds(i * LANES, LANES)
        s = sa_v[dsl] + sb_v[dsl]
        c = jnp.maximum(ca_v[dsl] + cb_v[dsl], 1.0)
        w = wh_v[dsl] * se_v[dsl]
        se_v[dsl] = w * w * s / c
        return 0

    lax.fori_loop(0, TSLICE // LANES, g_body, 0)
    pltpu.sync_copy(se_v, g_sp.at[tsl])

    _fill(sa_v, TSLICE, 0.0)
    pltpu.sync_copy(sa_v, o_sp.at[tsl])
    plsc.subcore_barrier()

    def load_idx(chunk, ni, ei):
        base = wid * PER_W + chunk * CHUNK
        pltpu.sync_copy(he_hbm.at[pl.ds(base, CHUNK)], ni)
        pltpu.sync_copy(he_hbm.at[pl.ds(N_CONN + base, CHUNK)], ei)

    load_idx(0, ni0, ei0)
    pltpu.async_copy(g_sp.at[ei0], v0, gsem).wait()

    def pipe_body(j, _):
        c0 = 2 * j
        s0 = pltpu.async_copy(v0, o_sp.at[ni0], sem0, add=True)
        load_idx(c0 + 1, ni1, ei1)
        pltpu.async_copy(g_sp.at[ei1], v1, gsem).wait()
        s1 = pltpu.async_copy(v1, o_sp.at[ni1], sem1, add=True)
        s0.wait()
        load_idx(jnp.minimum(c0 + 2, NCH - 1), ni0, ei0)
        pltpu.async_copy(g_sp.at[ei0], v0, gsem).wait()
        s1.wait()
        return 0

    lax.fori_loop(0, NCH // 2, pipe_body, 0)
    plsc.subcore_barrier()

    pltpu.sync_copy(o_sp.at[tsl], sa_v)
    pltpu.sync_copy(sa_v, out_p.at[pl.ds(cid * TPAD + tlo, TSLICE)])


def _combine_body(p_ref, wn_ref, b_ref, o_ref):
    o_ref[...] = ((p_ref[0:1, :] + p_ref[1:2, :])
                  * (W_MAX * W_MAX * wn_ref[0, 0]) + b_ref[0, 0])


def kernel(x_in, hyperedge_index, weight_node, bias, w_hat, s_e):
    x_pad = jnp.zeros((TPAD,), jnp.float32).at[:N_NODES].set(x_in[:, 0])
    wh_pad = jnp.zeros((TPAD,), jnp.float32).at[:N_EDGES].set(w_hat)
    se_pad = jnp.zeros((TPAD,), jnp.float32).at[:N_EDGES].set(s_e)
    he_flat = hyperedge_index.astype(jnp.int32).reshape(2 * N_CONN)

    s_part, c_part = _edge_accum(x_pad, he_flat)
    out_part = _node_scatter(he_flat, s_part, c_part, wh_pad, se_pad)

    out2 = pl.pallas_call(
        _combine_body,
        out_shape=jax.ShapeDtypeStruct((1, TPAD), jnp.float32),
    )(out_part.reshape(NC, TPAD), weight_node, bias.reshape(1, 1))
    return out2[0, :N_NODES, None]

# --- scband reference (transcript-rebuilt; emitter-appended) ---
"""Pipeline reference for scband-bistable-hypergraph-synapse-65369402245523 (READ-ONLY COPY).

The authoritative reference and input builder live on the scoring server;
editing this copy changes nothing except your own understanding.
"""

import jax, jax.numpy as jnp
import numpy as np

NUM_NEURONS = 100000
MAX_EDGES = 100000
N_CONN = 6400000
W_MAX = 1.0


def setup_inputs(seed: int = 0) -> dict:
    key = jax.random.key(seed)
    k1, k2, k3, k4, k5 = jax.random.split(key, 5)
    x_in = jax.random.uniform(k1, (NUM_NEURONS, 1), dtype=jnp.float32)
    hyperedge_index = jax.random.randint(k2, (2, N_CONN), 0, NUM_NEURONS, dtype=jnp.int64 if jax.config.jax_enable_x64 else jnp.int32)
    # xavier uniform for (1, 1) weight: bound = sqrt(6/(1+1))
    bound = np.sqrt(6.0 / 2.0)
    weight_node = jax.random.uniform(k3, (1, 1), dtype=jnp.float32, minval=-bound, maxval=bound)
    bias = jnp.zeros((1,), dtype=jnp.float32)
    w_hat = jax.random.normal(k4, (MAX_EDGES,), dtype=jnp.float32) * 0.1
    s_e = jnp.ones((MAX_EDGES,), dtype=jnp.float32) * 0.5
    return {"x_in": x_in, "hyperedge_index": hyperedge_index, "weight_node": weight_node, "bias": bias, "w_hat": w_hat, "s_e": s_e}


def reference(x_in, hyperedge_index, weight_node, bias, w_hat, s_e):
    node_idx = hyperedge_index[0]
    edge_idx = hyperedge_index[1]
    # effective per-hyperedge weight w_e = w_max * s_e * w_hat, gathered per COO connection
    effective_w = W_MAX * s_e * w_hat
    hyperedge_weight = jnp.take(effective_w, edge_idx, axis=0)
    # SpikeHypergraphConv forward
    x_t = x_in @ weight_node                     # (N, out_channels)
    node_features = jnp.take(x_t, node_idx, axis=0) * hyperedge_weight[:, None]
    # node -> hyperedge: scatter mean
    sums = jax.ops.segment_sum(node_features, edge_idx, num_segments=MAX_EDGES)
    ones = jnp.ones((node_features.shape[0], 1), dtype=node_features.dtype)
    counts = jax.ops.segment_sum(ones, edge_idx, num_segments=MAX_EDGES)
    edge_features = sums / jnp.clip(counts, 1.0, None)
    # hyperedge -> node: gather, weight, scatter sum
    edge_msgs = jnp.take(edge_features, edge_idx, axis=0) * hyperedge_weight[:, None]
    out = jax.ops.segment_sum(edge_msgs, node_idx, num_segments=NUM_NEURONS)
    out = out + bias
    return out

if __name__ == "__main__":
    import jax
    _d = setup_inputs()
    print(jax.jit(kernel)(*tuple(_d.values())))

</pallas_src>

<mosaic_0001>
#map = affine_map<(d0, d1) -> (0)>
module attributes {stable_mosaic.version = 14 : i64} {
  func.func @_edge_accum(%arg0: i32, %arg1: i32, %arg2: memref<102400xf32, #tpu.memory_space<hbm>>, %arg3: memref<12800000xi32, #tpu.memory_space<hbm>>, %arg4: memref<204800xf32, #tpu.memory_space<hbm>>, %arg5: memref<204800xf32, #tpu.memory_space<hbm>>, %arg6: memref<10000xi32, #tpu.memory_space<vmem>>, %arg7: memref<10000xi32, #tpu.memory_space<vmem>>, %arg8: memref<10000xi32, #tpu.memory_space<vmem>>, %arg9: memref<10000xi32, #tpu.memory_space<vmem>>, %arg10: memref<10000xf32, #tpu.memory_space<vmem>>, %arg11: memref<10000xf32, #tpu.memory_space<vmem>>, %arg12: memref<10000xf32, #tpu.memory_space<vmem>>, %arg13: memref<6400xf32, #tpu.memory_space<vmem>>, %arg14: memref<102400xf32, #tpu.memory_space<vmem_shared>>, %arg15: memref<102400xf32, #tpu.memory_space<vmem_shared>>, %arg16: memref<102400xf32, #tpu.memory_space<vmem_shared>>, %arg17: memref<!tpu.dma_semaphore, #tpu.memory_space<semaphore_mem>>, %arg18: memref<!tpu.dma_semaphore, #tpu.memory_space<semaphore_mem>>, %arg19: memref<!tpu.dma_semaphore, #tpu.memory_space<semaphore_mem>>) attributes {dimension_semantics = [#tpu.dimension_semantics<core_parallel>, #tpu.dimension_semantics<subcore_parallel>], iteration_bounds = array<i64: 2, 16>, scalar_prefetch = 0 : i64, scratch_operands = 14 : i64, tpu.core_type = #tpu.core_type<sc_vector_subcore>, window_params = [{transform_indices = #map}, {transform_indices = #map}, {transform_indices = #map}, {transform_indices = #map}]} {
    %mul3A = arith.constant 2 : i32
    %mul3A_0 = arith.muli %arg1, %mul3A : i32
    %add3A = arith.addi %mul3A_0, %arg0 : i32
    %mul3A_1 = arith.constant 6400 : i32
    %mul3A_2 = arith.muli %arg1, %mul3A_1 : i32
    %scan3A = arith.constant 0 : i32
    %scan3A_3 = arith.constant 0 : i32
    %scan3A_4 = arith.constant 400 : i32
    %scan3A_5 = arith.addi %scan3A_3, %scan3A_4 : i32
    %scan3A_6 = arith.constant 1 : i32
    %scan3A_7 = scf.for %scan3A_38 = %scan3A_3 to %scan3A_5 step %scan3A_6 iter_args(%scan3A_39 = %scan3A) -> (i32)  : i32 {
      %broadcast_in_dim3A = arith.constant 0.000000e+00 : f32
      %broadcast_in_dim3A_40 = vector.broadcast %broadcast_in_dim3A : f32 to vector<16xf32>
      %mul3A_41 = arith.constant 16 : i32
      %mul3A_42 = arith.muli %scan3A_38, %mul3A_41 : i32
      %swap3A = arith.index_cast %mul3A_42 : i32 to index
      %swap3A_43 = tpu.vector_load %arg13[%swap3A] {strides = array<i32>} : memref<6400xf32, #tpu.memory_space<vmem>>, vector<16xf32>,
      tpu.vector_store %arg13[%swap3A], %broadcast_in_dim3A_40 {strides = array<i32>} : memref<6400xf32, #tpu.memory_space<vmem>>, vector<16xf32>,
      %scan3A_44 = arith.constant 0 : i32
      scf.yield %scan3A_44 : i32
    }
    %scan3A_8 = arith.constant 400 : i32
    "tpu.region"() ({
      %run_scoped3A = tpu.sem_alloc : memref<!tpu.dma_semaphore, #tpu.memory_space<semaphore_mem>>
      %dma_start3A_38 = tpu.memref_slice %arg15[%mul3A_2] : memref<102400xf32, #tpu.memory_space<vmem_shared>> -> memref<6400xf32, #tpu.memory_space<vmem_shared>>
      %dma_start3A_39 = tpu.memref_slice %arg15[%mul3A_2] : memref<102400xf32, #tpu.memory_space<vmem_shared>> -> memref<6400xf32, #tpu.memory_space<vmem_shared>>
      tpu.enqueue_dma source(%arg13 : memref<6400xf32, #tpu.memory_space<vmem>>) target(%dma_start3A_39 : memref<6400xf32, #tpu.memory_space<vmem_shared>>) target_semaphore(%run_scoped3A : memref<!tpu.dma_semaphore, #tpu.memory_space<semaphore_mem>>)
      %dma_wait3A_40 = tpu.memref_slice %arg15[%mul3A_2] : memref<102400xf32, #tpu.memory_space<vmem_shared>> -> memref<6400xf32, #tpu.memory_space<vmem_shared>>
      %dma_wait3A_41 = tpu.memref_slice %arg15[%mul3A_2] : memref<102400xf32, #tpu.memory_space<vmem_shared>> -> memref<6400xf32, #tpu.memory_space<vmem_shared>>
      tpu.wait_dma2 semaphore(%run_scoped3A : memref<!tpu.dma_semaphore, #tpu.memory_space<semaphore_mem>>) src(%arg13 : memref<6400xf32, #tpu.memory_space<vmem>>) dst(%dma_wait3A_41 : memref<6400xf32, #tpu.memory_space<vmem_shared>>)
      tpu.yield
    }) : () -> ()
    "tpu.region"() ({
      %run_scoped3A = tpu.sem_alloc : memref<!tpu.dma_semaphore, #tpu.memory_space<semaphore_mem>>
      %dma_start3A_38 = tpu.memref_slice %arg16[%mul3A_2] : memref<102400xf32, #tpu.memory_space<vmem_shared>> -> memref<6400xf32, #tpu.memory_space<vmem_shared>>
      %dma_start3A_39 = tpu.memref_slice %arg16[%mul3A_2] : memref<102400xf32, #tpu.memory_space<vmem_shared>> -> memref<6400xf32, #tpu.memory_space<vmem_shared>>
      tpu.enqueue_dma source(%arg13 : memref<6400xf32, #tpu.memory_space<vmem>>) target(%dma_start3A_39 : memref<6400xf32, #tpu.memory_space<vmem_shared>>) target_semaphore(%run_scoped3A : memref<!tpu.dma_semaphore, #tpu.memory_space<semaphore_mem>>)
      %dma_wait3A_40 = tpu.memref_slice %arg16[%mul3A_2] : memref<102400xf32, #tpu.memory_space<vmem_shared>> -> memref<6400xf32, #tpu.memory_space<vmem_shared>>
      %dma_wait3A_41 = tpu.memref_slice %arg16[%mul3A_2] : memref<102400xf32, #tpu.memory_space<vmem_shared>> -> memref<6400xf32, #tpu.memory_space<vmem_shared>>
      tpu.wait_dma2 semaphore(%run_scoped3A : memref<!tpu.dma_semaphore, #tpu.memory_space<semaphore_mem>>) src(%arg13 : memref<6400xf32, #tpu.memory_space<vmem>>) dst(%dma_wait3A_41 : memref<6400xf32, #tpu.memory_space<vmem_shared>>)
      tpu.yield
    }) : () -> ()
    %scan3A_9 = arith.constant 0 : i32
    %scan3A_10 = arith.constant 0 : i32
    %scan3A_11 = arith.constant 625 : i32
    %scan3A_12 = arith.addi %scan3A_10, %scan3A_11 : i32
    %scan3A_13 = arith.constant 1 : i32
    %scan3A_14 = scf.for %scan3A_38 = %scan3A_10 to %scan3A_12 step %scan3A_13 iter_args(%scan3A_39 = %scan3A_9) -> (i32)  : i32 {
      %broadcast_in_dim3A = arith.constant 1.000000e+00 : f32
      %broadcast_in_dim3A_40 = vector.broadcast %broadcast_in_dim3A : f32 to vector<16xf32>
      %mul3A_41 = arith.constant 16 : i32
      %mul3A_42 = arith.muli %scan3A_38, %mul3A_41 : i32
      %swap3A = arith.index_cast %mul3A_42 : i32 to index
      %swap3A_43 = tpu.vector_load %arg12[%swap3A] {strides = array<i32>} : memref<10000xf32, #tpu.memory_space<vmem>>, vector<16xf32>,
      tpu.vector_store %arg12[%swap3A], %broadcast_in_dim3A_40 {strides = array<i32>} : memref<10000xf32, #tpu.memory_space<vmem>>, vector<16xf32>,
      %scan3A_44 = arith.constant 0 : i32
      scf.yield %scan3A_44 : i32
    }
    %scan3A_15 = arith.constant 625 : i32
    "tpu.region"() ({
      %run_scoped3A = tpu.sem_alloc : memref<!tpu.dma_semaphore, #tpu.memory_space<semaphore_mem>>
      %dma_start3A_38 = tpu.memref_slice %arg2[%mul3A_2] : memref<102400xf32, #tpu.memory_space<hbm>> -> memref<6400xf32, #tpu.memory_space<hbm>>
      %dma_start3A_39 = tpu.memref_slice %arg2[%mul3A_2] : memref<102400xf32, #tpu.memory_space<hbm>> -> memref<6400xf32, #tpu.memory_space<hbm>>
      tpu.enqueue_dma source(%dma_start3A_39 : memref<6400xf32, #tpu.memory_space<hbm>>) target(%arg13 : memref<6400xf32, #tpu.memory_space<vmem>>) target_semaphore(%run_scoped3A : memref<!tpu.dma_semaphore, #tpu.memory_space<semaphore_mem>>)
      %dma_wait3A_40 = tpu.memref_slice %arg2[%mul3A_2] : memref<102400xf32, #tpu.memory_space<hbm>> -> memref<6400xf32, #tpu.memory_space<hbm>>
      %dma_wait3A_41 = tpu.memref_slice %arg2[%mul3A_2] : memref<102400xf32, #tpu.memory_space<hbm>> -> memref<6400xf32, #tpu.memory_space<hbm>>
      tpu.wait_dma2 semaphore(%run_scoped3A : memref<!tpu.dma_semaphore, #tpu.memory_space<semaphore_mem>>) src(%dma_wait3A_41 : memref<6400xf32, #tpu.memory_space<hbm>>) dst(%arg13 : memref<6400xf32, #tpu.memory_space<vmem>>)
      tpu.yield
    }) : () -> ()
    "tpu.region"() ({
      %run_scoped3A = tpu.sem_alloc : memref<!tpu.dma_semaphore, #tpu.memory_space<semaphore_mem>>
      %dma_start3A_38 = tpu.memref_slice %arg14[%mul3A_2] : memref<102400xf32, #tpu.memory_space<vmem_shared>> -> memref<6400xf32, #tpu.memory_space<vmem_shared>>
      %dma_start3A_39 = tpu.memref_slice %arg14[%mul3A_2] : memref<102400xf32, #tpu.memory_space<vmem_shared>> -> memref<6400xf32, #tpu.memory_space<vmem_shared>>
      tpu.enqueue_dma source(%arg13 : memref<6400xf32, #tpu.memory_space<vmem>>) target(%dma_start3A_39 : memref<6400xf32, #tpu.memory_space<vmem_shared>>) target_semaphore(%run_scoped3A : memref<!tpu.dma_semaphore, #tpu.memory_space<semaphore_mem>>)
      %dma_wait3A_40 = tpu.memref_slice %arg14[%mul3A_2] : memref<102400xf32, #tpu.memory_space<vmem_shared>> -> memref<6400xf32, #tpu.memory_space<vmem_shared>>
      %dma_wait3A_41 = tpu.memref_slice %arg14[%mul3A_2] : memref<102400xf32, #tpu.memory_space<vmem_shared>> -> memref<6400xf32, #tpu.memory_space<vmem_shared>>
      tpu.wait_dma2 semaphore(%run_scoped3A : memref<!tpu.dma_semaphore, #tpu.memory_space<semaphore_mem>>) src(%arg13 : memref<6400xf32, #tpu.memory_space<vmem>>) dst(%dma_wait3A_41 : memref<6400xf32, #tpu.memory_space<vmem_shared>>)
      tpu.yield
    }) : () -> ()
    %barrier3A = arith.constant 0 : index
    tpu.barrier barrier_id(%barrier3A)
    %mul3A_16 = arith.constant 200000 : i32
    %mul3A_17 = arith.muli %add3A, %mul3A_16 : i32
    %add3A_18 = arith.constant 0 : i32
    %add3A_19 = arith.addi %mul3A_17, %add3A_18 : i32
    "tpu.region"() ({
      %run_scoped3A = tpu.sem_alloc : memref<!tpu.dma_semaphore, #tpu.memory_space<semaphore_mem>>
      %dma_start3A_38 = tpu.memref_slice %arg3[%add3A_19] : memref<12800000xi32, #tpu.memory_space<hbm>> -> memref<10000xi32, #tpu.memory_space<hbm>>
      %dma_start3A_39 = tpu.memref_slice %arg3[%add3A_19] : memref<12800000xi32, #tpu.memory_space<hbm>> -> memref<10000xi32, #tpu.memory_space<hbm>>
      tpu.enqueue_dma source(%dma_start3A_39 : memref<10000xi32, #tpu.memory_space<hbm>>) target(%arg6 : memref<10000xi32, #tpu.memory_space<vmem>>) target_semaphore(%run_scoped3A : memref<!tpu.dma_semaphore, #tpu.memory_space<semaphore_mem>>)
      %dma_wait3A_40 = tpu.memref_slice %arg3[%add3A_19] : memref<12800000xi32, #tpu.memory_space<hbm>> -> memref<10000xi32, #tpu.memory_space<hbm>>
      %dma_wait3A_41 = tpu.memref_slice %arg3[%add3A_19] : memref<12800000xi32, #tpu.memory_space<hbm>> -> memref<10000xi32, #tpu.memory_space<hbm>>
      tpu.wait_dma2 semaphore(%run_scoped3A : memref<!tpu.dma_semaphore, #tpu.memory_space<semaphore_mem>>) src(%dma_wait3A_41 : memref<10000xi32, #tpu.memory_space<hbm>>) dst(%arg6 : memref<10000xi32, #tpu.memory_space<vmem>>)
      tpu.yield
    }) : () -> ()
    %add3A_20 = arith.constant 6400000 : i32
    %add3A_21 = arith.addi %add3A_20, %add3A_19 : i32
    "tpu.region"() ({
      %run_scoped3A = tpu.sem_alloc : memref<!tpu.dma_semaphore, #tpu.memory_space<semaphore_mem>>
      %dma_start3A_38 = tpu.memref_slice %arg3[%add3A_21] : memref<12800000xi32, #tpu.memory_space<hbm>> -> memref<10000xi32, #tpu.memory_space<hbm>>
      %dma_start3A_39 = tpu.memref_slice %arg3[%add3A_21] : memref<12800000xi32, #tpu.memory_space<hbm>> -> memref<10000xi32, #tpu.memory_space<hbm>>
      tpu.enqueue_dma source(%dma_start3A_39 : memref<10000xi32, #tpu.memory_space<hbm>>) target(%arg8 : memref<10000xi32, #tpu.memory_space<vmem>>) target_semaphore(%run_scoped3A : memref<!tpu.dma_semaphore, #tpu.memory_space<semaphore_mem>>)
      %dma_wait3A_40 = tpu.memref_slice %arg3[%add3A_21] : memref<12800000xi32, #tpu.memory_space<hbm>> -> memref<10000xi32, #tpu.memory_space<hbm>>
      %dma_wait3A_41 = tpu.memref_slice %arg3[%add3A_21] : memref<12800000xi32, #tpu.memory_space<hbm>> -> memref<10000xi32, #tpu.memory_space<hbm>>
      tpu.wait_dma2 semaphore(%run_scoped3A : memref<!tpu.dma_semaphore, #tpu.memory_space<semaphore_mem>>) src(%dma_wait3A_41 : memref<10000xi32, #tpu.memory_space<hbm>>) dst(%arg8 : memref<10000xi32, #tpu.memory_space<vmem>>)
      tpu.yield
    }) : () -> ()
    %dma_start3A = arith.constant 0 : i32
    %dma_start3A_22 = tpu.memref_slice %arg14[%dma_start3A] : memref<102400xf32, #tpu.memory_space<vmem_shared>> -> memref<102400xf32, #tpu.memory_space<vmem_shared>>
    tpu.enqueue_indirect_dma source(%dma_start3A_22 : memref<102400xf32, #tpu.memory_space<vmem_shared>>) target(%arg10 : memref<10000xf32, #tpu.memory_space<vmem>>) offsets(%arg6 : memref<10000xi32, #tpu.memory_space<vmem>>) semaphore(%arg17 : memref<!tpu.dma_semaphore, #tpu.memory_space<semaphore_mem>>)
    %dma_wait3A = arith.constant 0 : i32
    %dma_wait3A_23 = tpu.memref_slice %arg14[%dma_wait3A] : memref<102400xf32, #tpu.memory_space<vmem_shared>> -> memref<102400xf32, #tpu.memory_space<vmem_shared>>
    tpu.wait_indirect_dma semaphore(%arg17 : memref<!tpu.dma_semaphore, #tpu.memory_space<semaphore_mem>>) src(%dma_wait3A_23 : memref<102400xf32, #tpu.memory_space<vmem_shared>>) dst(%arg10 : memref<10000xf32, #tpu.memory_space<vmem>>)
    %scan3A_24 = arith.constant 0 : i32
    %scan3A_25 = arith.constant 0 : i32
    %scan3A_26 = arith.constant 10 : i32
    %scan3A_27 = arith.addi %scan3A_25, %scan3A_26 : i32
    %scan3A_28 = arith.constant 1 : i32
    %scan3A_29 = scf.for %scan3A_38 = %scan3A_25 to %scan3A_27 step %scan3A_28 iter_args(%scan3A_39 = %scan3A_24) -> (i32)  : i32 {
      %mul3A_40 = arith.constant 2 : i32
      %mul3A_41 = arith.muli %mul3A_40, %scan3A_38 : i32
      %dma_start3A_42 = arith.constant 0 : i32
      %dma_start3A_43 = tpu.memref_slice %arg15[%dma_start3A_42] : memref<102400xf32, #tpu.memory_space<vmem_shared>> -> memref<102400xf32, #tpu.memory_space<vmem_shared>>
      tpu.enqueue_indirect_dma source(%arg10 : memref<10000xf32, #tpu.memory_space<vmem>>) target(%dma_start3A_43 : memref<102400xf32, #tpu.memory_space<vmem_shared>>) offsets(%arg8 : memref<10000xi32, #tpu.memory_space<vmem>>) semaphore(%arg18 : memref<!tpu.dma_semaphore, #tpu.memory_space<semaphore_mem>>) {add = true}
      %dma_start3A_44 = arith.constant 0 : i32
      %dma_start3A_45 = tpu.memref_slice %arg16[%dma_start3A_44] : memref<102400xf32, #tpu.memory_space<vmem_shared>> -> memref<102400xf32, #tpu.memory_space<vmem_shared>>
      tpu.enqueue_indirect_dma source(%arg12 : memref<10000xf32, #tpu.memory_space<vmem>>) target(%dma_start3A_45 : memref<102400xf32, #tpu.memory_space<vmem_shared>>) offsets(%arg8 : memref<10000xi32, #tpu.memory_space<vmem>>) semaphore(%arg18 : memref<!tpu.dma_semaphore, #tpu.memory_space<semaphore_mem>>) {add = true}
      %add3A_46 = arith.constant 1 : i32
      %add3A_47 = arith.addi %mul3A_41, %add3A_46 : i32
      %mul3A_48 = arith.constant 200000 : i32
      %mul3A_49 = arith.muli %add3A, %mul3A_48 : i32
      %mul3A_50 = arith.constant 10000 : i32
      %mul3A_51 = arith.muli %add3A_47, %mul3A_50 : i32
      %add3A_52 = arith.addi %mul3A_49, %mul3A_51 : i32
      "tpu.region"() ({
        %run_scoped3A = tpu.sem_alloc : memref<!tpu.dma_semaphore, #tpu.memory_space<semaphore_mem>>
        %dma_start3A_86 = tpu.memref_slice %arg3[%add3A_52] : memref<12800000xi32, #tpu.memory_space<hbm>> -> memref<10000xi32, #tpu.memory_space<hbm>>
        %dma_start3A_87 = tpu.memref_slice %arg3[%add3A_52] : memref<12800000xi32, #tpu.memory_space<hbm>> -> memref<10000xi32, #tpu.memory_space<hbm>>
        tpu.enqueue_dma source(%dma_start3A_87 : memref<10000xi32, #tpu.memory_space<hbm>>) target(%arg7 : memref<10000xi32, #tpu.memory_space<vmem>>) target_semaphore(%run_scoped3A : memref<!tpu.dma_semaphore, #tpu.memory_space<semaphore_mem>>)
        %dma_wait3A_88 = tpu.memref_slice %arg3[%add3A_52] : memref<12800000xi32, #tpu.memory_space<hbm>> -> memref<10000xi32, #tpu.memory_space<hbm>>
        %dma_wait3A_89 = tpu.memref_slice %arg3[%add3A_52] : memref<12800000xi32, #tpu.memory_space<hbm>> -> memref<10000xi32, #tpu.memory_space<hbm>>
        tpu.wait_dma2 semaphore(%run_scoped3A : memref<!tpu.dma_semaphore, #tpu.memory_space<semaphore_mem>>) src(%dma_wait3A_89 : memref<10000xi32, #tpu.memory_space<hbm>>) dst(%arg7 : memref<10000xi32, #tpu.memory_space<vmem>>)
        tpu.yield
      }) : () -> ()
      %add3A_53 = arith.constant 6400000 : i32
      %add3A_54 = arith.addi %add3A_53, %add3A_52 : i32
      "tpu.region"() ({
        %run_scoped3A = tpu.sem_alloc : memref<!tpu.dma_semaphore, #tpu.memory_space<semaphore_mem>>
        %dma_start3A_86 = tpu.memref_slice %arg3[%add3A_54] : memref<12800000xi32, #tpu.memory_space<hbm>> -> memref<10000xi32, #tpu.memory_space<hbm>>
        %dma_start3A_87 = tpu.memref_slice %arg3[%add3A_54] : memref<12800000xi32, #tpu.memory_space<hbm>> -> memref<10000xi32, #tpu.memory_space<hbm>>
        tpu.enqueue_dma source(%dma_start3A_87 : memref<10000xi32, #tpu.memory_space<hbm>>) target(%arg9 : memref<10000xi32, #tpu.memory_space<vmem>>) target_semaphore(%run_scoped3A : memref<!tpu.dma_semaphore, #tpu.memory_space<semaphore_mem>>)
        %dma_wait3A_88 = tpu.memref_slice %arg3[%add3A_54] : memref<12800000xi32, #tpu.memory_space<hbm>> -> memref<10000xi32, #tpu.memory_space<hbm>>
        %dma_wait3A_89 = tpu.memref_slice %arg3[%add3A_54] : memref<12800000xi32, #tpu.memory_space<hbm>> -> memref<10000xi32, #tpu.memory_space<hbm>>
        tpu.wait_dma2 semaphore(%run_scoped3A : memref<!tpu.dma_semaphore, #tpu.memory_space<semaphore_mem>>) src(%dma_wait3A_89 : memref<10000xi32, #tpu.memory_space<hbm>>) dst(%arg9 : memref<10000xi32, #tpu.memory_space<vmem>>)
        tpu.yield
      }) : () -> ()
      %dma_start3A_55 = arith.constant 0 : i32
      %dma_start3A_56 = tpu.memref_slice %arg14[%dma_start3A_55] : memref<102400xf32, #tpu.memory_space<vmem_shared>> -> memref<102400xf32, #tpu.memory_space<vmem_shared>>
      tpu.enqueue_indirect_dma source(%dma_start3A_56 : memref<102400xf32, #tpu.memory_space<vmem_shared>>) target(%arg11 : memref<10000xf32, #tpu.memory_space<vmem>>) offsets(%arg7 : memref<10000xi32, #tpu.memory_space<vmem>>) semaphore(%arg17 : memref<!tpu.dma_semaphore, #tpu.memory_space<semaphore_mem>>)
      %dma_wait3A_57 = arith.constant 0 : i32
      %dma_wait3A_58 = tpu.memref_slice %arg14[%dma_wait3A_57] : memref<102400xf32, #tpu.memory_space<vmem_shared>> -> memref<102400xf32, #tpu.memory_space<vmem_shared>>
      tpu.wait_indirect_dma semaphore(%arg17 : memref<!tpu.dma_semaphore, #tpu.memory_space<semaphore_mem>>) src(%dma_wait3A_58 : memref<102400xf32, #tpu.memory_space<vmem_shared>>) dst(%arg11 : memref<10000xf32, #tpu.memory_space<vmem>>)
      %dma_start3A_59 = arith.constant 0 : i32
      %dma_start3A_60 = tpu.memref_slice %arg15[%dma_start3A_59] : memref<102400xf32, #tpu.memory_space<vmem_shared>> -> memref<102400xf32, #tpu.memory_space<vmem_shared>>
      tpu.enqueue_indirect_dma source(%arg11 : memref<10000xf32, #tpu.memory_space<vmem>>) target(%dma_start3A_60 : memref<102400xf32, #tpu.memory_space<vmem_shared>>) offsets(%arg9 : memref<10000xi32, #tpu.memory_space<vmem>>) semaphore(%arg19 : memref<!tpu.dma_semaphore, #tpu.memory_space<semaphore_mem>>) {add = true}
      %dma_start3A_61 = arith.constant 0 : i32
      %dma_start3A_62 = tpu.memref_slice %arg16[%dma_start3A_61] : memref<102400xf32, #tpu.memory_space<vmem_shared>> -> memref<102400xf32, #tpu.memory_space<vmem_shared>>
      tpu.enqueue_indirect_dma source(%arg12 : memref<10000xf32, #tpu.memory_space<vmem>>) target(%dma_start3A_62 : memref<102400xf32, #tpu.memory_space<vmem_shared>>) offsets(%arg9 : memref<10000xi32, #tpu.memory_space<vmem>>) semaphore(%arg19 : memref<!tpu.dma_semaphore, #tpu.memory_space<semaphore_mem>>) {add = true}
      %dma_wait3A_63 = arith.constant 0 : i32
      %dma_wait3A_64 = tpu.memref_slice %arg15[%dma_wait3A_63] : memref<102400xf32, #tpu.memory_space<vmem_shared>> -> memref<102400xf32, #tpu.memory_space<vmem_shared>>
      tpu.wait_indirect_dma semaphore(%arg18 : memref<!tpu.dma_semaphore, #tpu.memory_space<semaphore_mem>>) src(%arg10 : memref<10000xf32, #tpu.memory_space<vmem>>) dst(%dma_wait3A_64 : memref<102400xf32, #tpu.memory_space<vmem_shared>>)
      %dma_wait3A_65 = arith.constant 0 : i32
      %dma_wait3A_66 = tpu.memref_slice %arg16[%dma_wait3A_65] : memref<102400xf32, #tpu.memory_space<vmem_shared>> -> memref<102400xf32, #tpu.memory_space<vmem_shared>>
      tpu.wait_indirect_dma semaphore(%arg18 : memref<!tpu.dma_semaphore, #tpu.memory_space<semaphore_mem>>) src(%arg12 : memref<10000xf32, #tpu.memory_space<vmem>>) dst(%dma_wait3A_66 : memref<102400xf32, #tpu.memory_space<vmem_shared>>)
      %add3A_67 = arith.constant 2 : i32
      %add3A_68 = arith.addi %mul3A_41, %add3A_67 : i32
      %min3A = arith.constant 19 : i32
      %min3A_69 = arith.minsi %add3A_68, %min3A : i32
      %mul3A_70 = arith.constant 200000 : i32
      %mul3A_71 = arith.muli %add3A, %mul3A_70 : i32
      %mul3A_72 = arith.constant 10000 : i32
      %mul3A_73 = arith.muli %min3A_69, %mul3A_72 : i32
      %add3A_74 = arith.addi %mul3A_71, %mul3A_73 : i32
      "tpu.region"() ({
        %run_scoped3A = tpu.sem_alloc : memref<!tpu.dma_semaphore, #tpu.memory_space<semaphore_mem>>
        %dma_start3A_86 = tpu.memref_slice %arg3[%add3A_74] : memref<12800000xi32, #tpu.memory_space<hbm>> -> memref<10000xi32, #tpu.memory_space<hbm>>
        %dma_start3A_87 = tpu.memref_slice %arg3[%add3A_74] : memref<12800000xi32, #tpu.memory_space<hbm>> -> memref<10000xi32, #tpu.memory_space<hbm>>
        tpu.enqueue_dma source(%dma_start3A_87 : memref<10000xi32, #tpu.memory_space<hbm>>) target(%arg6 : memref<10000xi32, #tpu.memory_space<vmem>>) target_semaphore(%run_scoped3A : memref<!tpu.dma_semaphore, #tpu.memory_space<semaphore_mem>>)
        %dma_wait3A_88 = tpu.memref_slice %arg3[%add3A_74] : memref<12800000xi32, #tpu.memory_space<hbm>> -> memref<10000xi32, #tpu.memory_space<hbm>>
        %dma_wait3A_89 = tpu.memref_slice %arg3[%add3A_74] : memref<12800000xi32, #tpu.memory_space<hbm>> -> memref<10000xi32, #tpu.memory_space<hbm>>
        tpu.wait_dma2 semaphore(%run_scoped3A : memref<!tpu.dma_semaphore, #tpu.memory_space<semaphore_mem>>) src(%dma_wait3A_89 : memref<10000xi32, #tpu.memory_space<hbm>>) dst(%arg6 : memref<10000xi32, #tpu.memory_space<vmem>>)
        tpu.yield
      }) : () -> ()
      %add3A_75 = arith.constant 6400000 : i32
      %add3A_76 = arith.addi %add3A_75, %add3A_74 : i32
      "tpu.region"() ({
        %run_scoped3A = tpu.sem_alloc : memref<!tpu.dma_semaphore, #tpu.memory_space<semaphore_mem>>
        %dma_start3A_86 = tpu.memref_slice %arg3[%add3A_76] : memref<12800000xi32, #tpu.memory_space<hbm>> -> memref<10000xi32, #tpu.memory_space<hbm>>
        %dma_start3A_87 = tpu.memref_slice %arg3[%add3A_76] : memref<12800000xi32, #tpu.memory_space<hbm>> -> memref<10000xi32, #tpu.memory_space<hbm>>
        tpu.enqueue_dma source(%dma_start3A_87 : memref<10000xi32, #tpu.memory_space<hbm>>) target(%arg8 : memref<10000xi32, #tpu.memory_space<vmem>>) target_semaphore(%run_scoped3A : memref<!tpu.dma_semaphore, #tpu.memory_space<semaphore_mem>>)
        %dma_wait3A_88 = tpu.memref_slice %arg3[%add3A_76] : memref<12800000xi32, #tpu.memory_space<hbm>> -> memref<10000xi32, #tpu.memory_space<hbm>>
        %dma_wait3A_89 = tpu.memref_slice %arg3[%add3A_76] : memref<12800000xi32, #tpu.memory_space<hbm>> -> memref<10000xi32, #tpu.memory_space<hbm>>
        tpu.wait_dma2 semaphore(%run_scoped3A : memref<!tpu.dma_semaphore, #tpu.memory_space<semaphore_mem>>) src(%dma_wait3A_89 : memref<10000xi32, #tpu.memory_space<hbm>>) dst(%arg8 : memref<10000xi32, #tpu.memory_space<vmem>>)
        tpu.yield
      }) : () -> ()
      %dma_start3A_77 = arith.constant 0 : i32
      %dma_start3A_78 = tpu.memref_slice %arg14[%dma_start3A_77] : memref<102400xf32, #tpu.memory_space<vmem_shared>> -> memref<102400xf32, #tpu.memory_space<vmem_shared>>
      tpu.enqueue_indirect_dma source(%dma_start3A_78 : memref<102400xf32, #tpu.memory_space<vmem_shared>>) target(%arg10 : memref<10000xf32, #tpu.memory_space<vmem>>) offsets(%arg6 : memref<10000xi32, #tpu.memory_space<vmem>>) semaphore(%arg17 : memref<!tpu.dma_semaphore, #tpu.memory_space<semaphore_mem>>)
      %dma_wait3A_79 = arith.constant 0 : i32
      %dma_wait3A_80 = tpu.memref_slice %arg14[%dma_wait3A_79] : memref<102400xf32, #tpu.memory_space<vmem_shared>> -> memref<102400xf32, #tpu.memory_space<vmem_shared>>
      tpu.wait_indirect_dma semaphore(%arg17 : memref<!tpu.dma_semaphore, #tpu.memory_space<semaphore_mem>>) src(%dma_wait3A_80 : memref<102400xf32, #tpu.memory_space<vmem_shared>>) dst(%arg10 : memref<10000xf32, #tpu.memory_space<vmem>>)
      %dma_wait3A_81 = arith.constant 0 : i32
      %dma_wait3A_82 = tpu.memref_slice %arg15[%dma_wait3A_81] : memref<102400xf32, #tpu.memory_space<vmem_shared>> -> memref<102400xf32, #tpu.memory_space<vmem_shared>>
      tpu.wait_indirect_dma semaphore(%arg19 : memref<!tpu.dma_semaphore, #tpu.memory_space<semaphore_mem>>) src(%arg11 : memref<10000xf32, #tpu.memory_space<vmem>>) dst(%dma_wait3A_82 : memref<102400xf32, #tpu.memory_space<vmem_shared>>)
      %dma_wait3A_83 = arith.constant 0 : i32
      %dma_wait3A_84 = tpu.memref_slice %arg16[%dma_wait3A_83] : memref<102400xf32, #tpu.memory_space<vmem_shared>> -> memref<102400xf32, #tpu.memory_space<vmem_shared>>
      tpu.wait_indirect_dma semaphore(%arg19 : memref<!tpu.dma_semaphore, #tpu.memory_space<semaphore_mem>>) src(%arg12 : memref<10000xf32, #tpu.memory_space<vmem>>) dst(%dma_wait3A_84 : memref<102400xf32, #tpu.memory_space<vmem_shared>>)
      %scan3A_85 = arith.constant 0 : i32
      scf.yield %scan3A_85 : i32
    }
    %scan3A_30 = arith.constant 10 : i32
    %barrier3A_31 = arith.constant 0 : index
    tpu.barrier barrier_id(%barrier3A_31)
    "tpu.region"() ({
      %run_scoped3A = tpu.sem_alloc : memref<!tpu.dma_semaphore, #tpu.memory_space<semaphore_mem>>
      %dma_start3A_38 = tpu.memref_slice %arg15[%mul3A_2] : memref<102400xf32, #tpu.memory_space<vmem_shared>> -> memref<6400xf32, #tpu.memory_space<vmem_shared>>
      %dma_start3A_39 = tpu.memref_slice %arg15[%mul3A_2] : memref<102400xf32, #tpu.memory_space<vmem_shared>> -> memref<6400xf32, #tpu.memory_space<vmem_shared>>
      tpu.enqueue_dma source(%dma_start3A_39 : memref<6400xf32, #tpu.memory_space<vmem_shared>>) target(%arg13 : memref<6400xf32, #tpu.memory_space<vmem>>) target_semaphore(%run_scoped3A : memref<!tpu.dma_semaphore, #tpu.memory_space<semaphore_mem>>)
      %dma_wait3A_40 = tpu.memref_slice %arg15[%mul3A_2] : memref<102400xf32, #tpu.memory_space<vmem_shared>> -> memref<6400xf32, #tpu.memory_space<vmem_shared>>
      %dma_wait3A_41 = tpu.memref_slice %arg15[%mul3A_2] : memref<102400xf32, #tpu.memory_space<vmem_shared>> -> memref<6400xf32, #tpu.memory_space<vmem_shared>>
      tpu.wait_dma2 semaphore(%run_scoped3A : memref<!tpu.dma_semaphore, #tpu.memory_space<semaphore_mem>>) src(%dma_wait3A_41 : memref<6400xf32, #tpu.memory_space<vmem_shared>>) dst(%arg13 : memref<6400xf32, #tpu.memory_space<vmem>>)
      tpu.yield
    }) : () -> ()
    %mul3A_32 = arith.constant 102400 : i32
    %mul3A_33 = arith.muli %arg0, %mul3A_32 : i32
    %add3A_34 = arith.addi %mul3A_33, %mul3A_2 : i32
    "tpu.region"() ({
      %run_scoped3A = tpu.sem_alloc : memref<!tpu.dma_semaphore, #tpu.memory_space<semaphore_mem>>
      %dma_start3A_38 = tpu.memref_slice %arg4[%add3A_34] : memref<204800xf32, #tpu.memory_space<hbm>> -> memref<6400xf32, #tpu.memory_space<hbm>>
      %dma_start3A_39 = tpu.memref_slice %arg4[%add3A_34] : memref<204800xf32, #tpu.memory_space<hbm>> -> memref<6400xf32, #tpu.memory_space<hbm>>
      tpu.enqueue_dma source(%arg13 : memref<6400xf32, #tpu.memory_space<vmem>>) target(%dma_start3A_39 : memref<6400xf32, #tpu.memory_space<hbm>>) target_semaphore(%run_scoped3A : memref<!tpu.dma_semaphore, #tpu.memory_space<semaphore_mem>>)
      %dma_wait3A_40 = tpu.memref_slice %arg4[%add3A_34] : memref<204800xf32, #tpu.memory_space<hbm>> -> memref<6400xf32, #tpu.memory_space<hbm>>
      %dma_wait3A_41 = tpu.memref_slice %arg4[%add3A_34] : memref<204800xf32, #tpu.memory_space<hbm>> -> memref<6400xf32, #tpu.memory_space<hbm>>
      tpu.wait_dma2 semaphore(%run_scoped3A : memref<!tpu.dma_semaphore, #tpu.memory_space<semaphore_mem>>) src(%arg13 : memref<6400xf32, #tpu.memory_space<vmem>>) dst(%dma_wait3A_41 : memref<6400xf32, #tpu.memory_space<hbm>>)
      tpu.yield
    }) : () -> ()
    "tpu.region"() ({
      %run_scoped3A = tpu.sem_alloc : memref<!tpu.dma_semaphore, #tpu.memory_space<semaphore_mem>>
      %dma_start3A_38 = tpu.memref_slice %arg16[%mul3A_2] : memref<102400xf32, #tpu.memory_space<vmem_shared>> -> memref<6400xf32, #tpu.memory_space<vmem_shared>>
      %dma_start3A_39 = tpu.memref_slice %arg16[%mul3A_2] : memref<102400xf32, #tpu.memory_space<vmem_shared>> -> memref<6400xf32, #tpu.memory_space<vmem_shared>>
      tpu.enqueue_dma source(%dma_start3A_39 : memref<6400xf32, #tpu.memory_space<vmem_shared>>) target(%arg13 : memref<6400xf32, #tpu.memory_space<vmem>>) target_semaphore(%run_scoped3A : memref<!tpu.dma_semaphore, #tpu.memory_space<semaphore_mem>>)
      %dma_wait3A_40 = tpu.memref_slice %arg16[%mul3A_2] : memref<102400xf32, #tpu.memory_space<vmem_shared>> -> memref<6400xf32, #tpu.memory_space<vmem_shared>>
      %dma_wait3A_41 = tpu.memref_slice %arg16[%mul3A_2] : memref<102400xf32, #tpu.memory_space<vmem_shared>> -> memref<6400xf32, #tpu.memory_space<vmem_shared>>
      tpu.wait_dma2 semaphore(%run_scoped3A : memref<!tpu.dma_semaphore, #tpu.memory_space<semaphore_mem>>) src(%dma_wait3A_41 : memref<6400xf32, #tpu.memory_space<vmem_shared>>) dst(%arg13 : memref<6400xf32, #tpu.memory_space<vmem>>)
      tpu.yield
    }) : () -> ()
    %mul3A_35 = arith.constant 102400 : i32
    %mul3A_36 = arith.muli %arg0, %mul3A_35 : i32
    %add3A_37 = arith.addi %mul3A_36, %mul3A_2 : i32
    "tpu.region"() ({
      %run_scoped3A = tpu.sem_alloc : memref<!tpu.dma_semaphore, #tpu.memory_space<semaphore_mem>>
      %dma_start3A_38 = tpu.memref_slice %arg5[%add3A_37] : memref<204800xf32, #tpu.memory_space<hbm>> -> memref<6400xf32, #tpu.memory_space<hbm>>
      %dma_start3A_39 = tpu.memref_slice %arg5[%add3A_37] : memref<204800xf32, #tpu.memory_space<hbm>> -> memref<6400xf32, #tpu.memory_space<hbm>>
      tpu.enqueue_dma source(%arg13 : memref<6400xf32, #tpu.memory_space<vmem>>) target(%dma_start3A_39 : memref<6400xf32, #tpu.memory_space<hbm>>) target_semaphore(%run_scoped3A : memref<!tpu.dma_semaphore, #tpu.memory_space<semaphore_mem>>)
      %dma_wait3A_40 = tpu.memref_slice %arg5[%add3A_37] : memref<204800xf32, #tpu.memory_space<hbm>> -> memref<6400xf32, #tpu.memory_space<hbm>>
      %dma_wait3A_41 = tpu.memref_slice %arg5[%add3A_37] : memref<204800xf32, #tpu.memory_space<hbm>> -> memref<6400xf32, #tpu.memory_space<hbm>>
      tpu.wait_dma2 semaphore(%run_scoped3A : memref<!tpu.dma_semaphore, #tpu.memory_space<semaphore_mem>>) src(%arg13 : memref<6400xf32, #tpu.memory_space<vmem>>) dst(%dma_wait3A_41 : memref<6400xf32, #tpu.memory_space<hbm>>)
      tpu.yield
    }) : () -> ()
    return
  }
}

#map = affine_map<(d0, d1) -> (0)>
module attributes {stable_mosaic.version = 14 : i64} {
  func.func @_node_scatter(%arg0: i32, %arg1: i32, %arg2: memref<12800000xi32, #tpu.memory_space<hbm>>, %arg3: memref<204800xf32, #tpu.memory_space<hbm>>, %arg4: memref<204800xf32, #tpu.memory_space<hbm>>, %arg5: memref<102400xf32, #tpu.memory_space<hbm>>, %arg6: memref<102400xf32, #tpu.memory_space<hbm>>, %arg7: memref<204800xf32, #tpu.memory_space<hbm>>, %arg8: memref<10000xi32, #tpu.memory_space<vmem>>, %arg9: memref<10000xi32, #tpu.memory_space<vmem>>, %arg10: memref<10000xi32, #tpu.memory_space<vmem>>, %arg11: memref<10000xi32, #tpu.memory_space<vmem>>, %arg12: memref<10000xf32, #tpu.memory_space<vmem>>, %arg13: memref<10000xf32, #tpu.memory_space<vmem>>, %arg14: memref<6400xf32, #tpu.memory_space<vmem>>, %arg15: memref<6400xf32, #tpu.memory_space<vmem>>, %arg16: memref<6400xf32, #tpu.memory_space<vmem>>, %arg17: memref<6400xf32, #tpu.memory_space<vmem>>, %arg18: memref<6400xf32, #tpu.memory_space<vmem>>, %arg19: memref<6400xf32, #tpu.memory_space<vmem>>, %arg20: memref<102400xf32, #tpu.memory_space<vmem_shared>>, %arg21: memref<102400xf32, #tpu.memory_space<vmem_shared>>, %arg22: memref<!tpu.dma_semaphore, #tpu.memory_space<semaphore_mem>>, %arg23: memref<!tpu.dma_semaphore, #tpu.memory_space<semaphore_mem>>, %arg24: memref<!tpu.dma_semaphore, #tpu.memory_space<semaphore_mem>>) attributes {dimension_semantics = [#tpu.dimension_semantics<core_parallel>, #tpu.dimension_semantics<subcore_parallel>], iteration_bounds = array<i64: 2, 16>, scalar_prefetch = 0 : i64, scratch_operands = 17 : i64, tpu.core_type = #tpu.core_type<sc_vector_subcore>, window_params = [{transform_indices = #map}, {transform_indices = #map}, {transform_indices = #map}, {transform_indices = #map}, {transform_indices = #map}, {transform_indices = #map}]} {
    %mul3A = arith.constant 2 : i32
    %mul3A_0 = arith.muli %arg1, %mul3A : i32
    %add3A = arith.addi %mul3A_0, %arg0 : i32
    %mul3A_1 = arith.constant 6400 : i32
    %mul3A_2 = arith.muli %arg1, %mul3A_1 : i32
    "tpu.region"() ({
      %run_scoped3A = tpu.sem_alloc : memref<!tpu.dma_semaphore, #tpu.memory_space<semaphore_mem>>
      %dma_start3A_39 = tpu.memref_slice %arg3[%mul3A_2] : memref<204800xf32, #tpu.memory_space<hbm>> -> memref<6400xf32, #tpu.memory_space<hbm>>
      %dma_start3A_40 = tpu.memref_slice %arg3[%mul3A_2] : memref<204800xf32, #tpu.memory_space<hbm>> -> memref<6400xf32, #tpu.memory_space<hbm>>
      tpu.enqueue_dma source(%dma_start3A_40 : memref<6400xf32, #tpu.memory_space<hbm>>) target(%arg14 : memref<6400xf32, #tpu.memory_space<vmem>>) target_semaphore(%run_scoped3A : memref<!tpu.dma_semaphore, #tpu.memory_space<semaphore_mem>>)
      %dma_wait3A_41 = tpu.memref_slice %arg3[%mul3A_2] : memref<204800xf32, #tpu.memory_space<hbm>> -> memref<6400xf32, #tpu.memory_space<hbm>>
      %dma_wait3A_42 = tpu.memref_slice %arg3[%mul3A_2] : memref<204800xf32, #tpu.memory_space<hbm>> -> memref<6400xf32, #tpu.memory_space<hbm>>
      tpu.wait_dma2 semaphore(%run_scoped3A : memref<!tpu.dma_semaphore, #tpu.memory_space<semaphore_mem>>) src(%dma_wait3A_42 : memref<6400xf32, #tpu.memory_space<hbm>>) dst(%arg14 : memref<6400xf32, #tpu.memory_space<vmem>>)
      tpu.yield
    }) : () -> ()
    %add3A_3 = arith.constant 102400 : i32
    %add3A_4 = arith.addi %add3A_3, %mul3A_2 : i32
    "tpu.region"() ({
      %run_scoped3A = tpu.sem_alloc : memref<!tpu.dma_semaphore, #tpu.memory_space<semaphore_mem>>
      %dma_start3A_39 = tpu.memref_slice %arg3[%add3A_4] : memref<204800xf32, #tpu.memory_space<hbm>> -> memref<6400xf32, #tpu.memory_space<hbm>>
      %dma_start3A_40 = tpu.memref_slice %arg3[%add3A_4] : memref<204800xf32, #tpu.memory_space<hbm>> -> memref<6400xf32, #tpu.memory_space<hbm>>
      tpu.enqueue_dma source(%dma_start3A_40 : memref<6400xf32, #tpu.memory_space<hbm>>) target(%arg15 : memref<6400xf32, #tpu.memory_space<vmem>>) target_semaphore(%run_scoped3A : memref<!tpu.dma_semaphore, #tpu.memory_space<semaphore_mem>>)
      %dma_wait3A_41 = tpu.memref_slice %arg3[%add3A_4] : memref<204800xf32, #tpu.memory_space<hbm>> -> memref<6400xf32, #tpu.memory_space<hbm>>
      %dma_wait3A_42 = tpu.memref_slice %arg3[%add3A_4] : memref<204800xf32, #tpu.memory_space<hbm>> -> memref<6400xf32, #tpu.memory_space<hbm>>
      tpu.wait_dma2 semaphore(%run_scoped3A : memref<!tpu.dma_semaphore, #tpu.memory_space<semaphore_mem>>) src(%dma_wait3A_42 : memref<6400xf32, #tpu.memory_space<hbm>>) dst(%arg15 : memref<6400xf32, #tpu.memory_space<vmem>>)
      tpu.yield
    }) : () -> ()
    "tpu.region"() ({
      %run_scoped3A = tpu.sem_alloc : memref<!tpu.dma_semaphore, #tpu.memory_space<semaphore_mem>>
      %dma_start3A_39 = tpu.memref_slice %arg4[%mul3A_2] : memref<204800xf32, #tpu.memory_space<hbm>> -> memref<6400xf32, #tpu.memory_space<hbm>>
      %dma_start3A_40 = tpu.memref_slice %arg4[%mul3A_2] : memref<204800xf32, #tpu.memory_space<hbm>> -> memref<6400xf32, #tpu.memory_space<hbm>>
      tpu.enqueue_dma source(%dma_start3A_40 : memref<6400xf32, #tpu.memory_space<hbm>>) target(%arg16 : memref<6400xf32, #tpu.memory_space<vmem>>) target_semaphore(%run_scoped3A : memref<!tpu.dma_semaphore, #tpu.memory_space<semaphore_mem>>)
      %dma_wait3A_41 = tpu.memref_slice %arg4[%mul3A_2] : memref<204800xf32, #tpu.memory_space<hbm>> -> memref<6400xf32, #tpu.memory_space<hbm>>
      %dma_wait3A_42 = tpu.memref_slice %arg4[%mul3A_2] : memref<204800xf32, #tpu.memory_space<hbm>> -> memref<6400xf32, #tpu.memory_space<hbm>>
      tpu.wait_dma2 semaphore(%run_scoped3A : memref<!tpu.dma_semaphore, #tpu.memory_space<semaphore_mem>>) src(%dma_wait3A_42 : memref<6400xf32, #tpu.memory_space<hbm>>) dst(%arg16 : memref<6400xf32, #tpu.memory_space<vmem>>)
      tpu.yield
    }) : () -> ()
    %add3A_5 = arith.constant 102400 : i32
    %add3A_6 = arith.addi %add3A_5, %mul3A_2 : i32
    "tpu.region"() ({
      %run_scoped3A = tpu.sem_alloc : memref<!tpu.dma_semaphore, #tpu.memory_space<semaphore_mem>>
      %dma_start3A_39 = tpu.memref_slice %arg4[%add3A_6] : memref<204800xf32, #tpu.memory_space<hbm>> -> memref<6400xf32, #tpu.memory_space<hbm>>
      %dma_start3A_40 = tpu.memref_slice %arg4[%add3A_6] : memref<204800xf32, #tpu.memory_space<hbm>> -> memref<6400xf32, #tpu.memory_space<hbm>>
      tpu.enqueue_dma source(%dma_start3A_40 : memref<6400xf32, #tpu.memory_space<hbm>>) target(%arg17 : memref<6400xf32, #tpu.memory_space<vmem>>) target_semaphore(%run_scoped3A : memref<!tpu.dma_semaphore, #tpu.memory_space<semaphore_mem>>)
      %dma_wait3A_41 = tpu.memref_slice %arg4[%add3A_6] : memref<204800xf32, #tpu.memory_space<hbm>> -> memref<6400xf32, #tpu.memory_space<hbm>>
      %dma_wait3A_42 = tpu.memref_slice %arg4[%add3A_6] : memref<204800xf32, #tpu.memory_space<hbm>> -> memref<6400xf32, #tpu.memory_space<hbm>>
      tpu.wait_dma2 semaphore(%run_scoped3A : memref<!tpu.dma_semaphore, #tpu.memory_space<semaphore_mem>>) src(%dma_wait3A_42 : memref<6400xf32, #tpu.memory_space<hbm>>) dst(%arg17 : memref<6400xf32, #tpu.memory_space<vmem>>)
      tpu.yield
    }) : () -> ()
    "tpu.region"() ({
      %run_scoped3A = tpu.sem_alloc : memref<!tpu.dma_semaphore, #tpu.memory_space<semaphore_mem>>
      %dma_start3A_39 = tpu.memref_slice %arg5[%mul3A_2] : memref<102400xf32, #tpu.memory_space<hbm>> -> memref<6400xf32, #tpu.memory_space<hbm>>
      %dma_start3A_40 = tpu.memref_slice %arg5[%mul3A_2] : memref<102400xf32, #tpu.memory_space<hbm>> -> memref<6400xf32, #tpu.memory_space<hbm>>
      tpu.enqueue_dma source(%dma_start3A_40 : memref<6400xf32, #tpu.memory_space<hbm>>) target(%arg18 : memref<6400xf32, #tpu.memory_space<vmem>>) target_semaphore(%run_scoped3A : memref<!tpu.dma_semaphore, #tpu.memory_space<semaphore_mem>>)
      %dma_wait3A_41 = tpu.memref_slice %arg5[%mul3A_2] : memref<102400xf32, #tpu.memory_space<hbm>> -> memref<6400xf32, #tpu.memory_space<hbm>>
      %dma_wait3A_42 = tpu.memref_slice %arg5[%mul3A_2] : memref<102400xf32, #tpu.memory_space<hbm>> -> memref<6400xf32, #tpu.memory_space<hbm>>
      tpu.wait_dma2 semaphore(%run_scoped3A : memref<!tpu.dma_semaphore, #tpu.memory_space<semaphore_mem>>) src(%dma_wait3A_42 : memref<6400xf32, #tpu.memory_space<hbm>>) dst(%arg18 : memref<6400xf32, #tpu.memory_space<vmem>>)
      tpu.yield
    }) : () -> ()
    "tpu.region"() ({
      %run_scoped3A = tpu.sem_alloc : memref<!tpu.dma_semaphore, #tpu.memory_space<semaphore_mem>>
      %dma_start3A_39 = tpu.memref_slice %arg6[%mul3A_2] : memref<102400xf32, #tpu.memory_space<hbm>> -> memref<6400xf32, #tpu.memory_space<hbm>>
      %dma_start3A_40 = tpu.memref_slice %arg6[%mul3A_2] : memref<102400xf32, #tpu.memory_space<hbm>> -> memref<6400xf32, #tpu.memory_space<hbm>>
      tpu.enqueue_dma source(%dma_start3A_40 : memref<6400xf32, #tpu.memory_space<hbm>>) target(%arg19 : memref<6400xf32, #tpu.memory_space<vmem>>) target_semaphore(%run_scoped3A : memref<!tpu.dma_semaphore, #tpu.memory_space<semaphore_mem>>)
      %dma_wait3A_41 = tpu.memref_slice %arg6[%mul3A_2] : memref<102400xf32, #tpu.memory_space<hbm>> -> memref<6400xf32, #tpu.memory_space<hbm>>
      %dma_wait3A_42 = tpu.memref_slice %arg6[%mul3A_2] : memref<102400xf32, #tpu.memory_space<hbm>> -> memref<6400xf32, #tpu.memory_space<hbm>>
      tpu.wait_dma2 semaphore(%run_scoped3A : memref<!tpu.dma_semaphore, #tpu.memory_space<semaphore_mem>>) src(%dma_wait3A_42 : memref<6400xf32, #tpu.memory_space<hbm>>) dst(%arg19 : memref<6400xf32, #tpu.memory_space<vmem>>)
      tpu.yield
    }) : () -> ()
    %scan3A = arith.constant 0 : i32
    %scan3A_7 = arith.constant 0 : i32
    %scan3A_8 = arith.constant 400 : i32
    %scan3A_9 = arith.addi %scan3A_7, %scan3A_8 : i32
    %scan3A_10 = arith.constant 1 : i32
    %scan3A_11 = scf.for %scan3A_39 = %scan3A_7 to %scan3A_9 step %scan3A_10 iter_args(%scan3A_40 = %scan3A) -> (i32)  : i32 {
      %mul3A_41 = arith.constant 16 : i32
      %mul3A_42 = arith.muli %scan3A_39, %mul3A_41 : i32
      %get3A = arith.index_cast %mul3A_42 : i32 to index
      %get3A_43 = tpu.vector_load %arg14[%get3A] {strides = array<i32>} : memref<6400xf32, #tpu.memory_space<vmem>>, vector<16xf32>,
      %get3A_44 = arith.index_cast %mul3A_42 : i32 to index
      %get3A_45 = tpu.vector_load %arg15[%get3A_44] {strides = array<i32>} : memref<6400xf32, #tpu.memory_space<vmem>>, vector<16xf32>,
      %add3A_46 = arith.addf %get3A_43, %get3A_45 : vector<16xf32>
      %get3A_47 = arith.index_cast %mul3A_42 : i32 to index
      %get3A_48 = tpu.vector_load %arg16[%get3A_47] {strides = array<i32>} : memref<6400xf32, #tpu.memory_space<vmem>>, vector<16xf32>,
      %get3A_49 = arith.index_cast %mul3A_42 : i32 to index
      %get3A_50 = tpu.vector_load %arg17[%get3A_49] {strides = array<i32>} : memref<6400xf32, #tpu.memory_space<vmem>>, vector<16xf32>,
      %add3A_51 = arith.addf %get3A_48, %get3A_50 : vector<16xf32>
      %max3A = arith.constant 1.000000e+00 : f32
      %max3A_52 = vector.broadcast %max3A : f32 to vector<16xf32>
      %max3A_53 = arith.maximumf %add3A_51, %max3A_52 : vector<16xf32>
      %get3A_54 = arith.index_cast %mul3A_42 : i32 to index
      %get3A_55 = tpu.vector_load %arg18[%get3A_54] {strides = array<i32>} : memref<6400xf32, #tpu.memory_space<vmem>>, vector<16xf32>,
      %get3A_56 = arith.index_cast %mul3A_42 : i32 to index
      %get3A_57 = tpu.vector_load %arg19[%get3A_56] {strides = array<i32>} : memref<6400xf32, #tpu.memory_space<vmem>>, vector<16xf32>,
      %mul3A_58 = arith.mulf %get3A_55, %get3A_57 : vector<16xf32>
      %mul3A_59 = arith.mulf %mul3A_58, %mul3A_58 : vector<16xf32>
      %mul3A_60 = arith.mulf %mul3A_59, %add3A_46 : vector<16xf32>
      %div3A = arith.divf %mul3A_60, %max3A_53 : vector<16xf32>
      %swap3A = arith.index_cast %mul3A_42 : i32 to index
      %swap3A_61 = tpu.vector_load %arg19[%swap3A] {strides = array<i32>} : memref<6400xf32, #tpu.memory_space<vmem>>, vector<16xf32>,
      tpu.vector_store %arg19[%swap3A], %div3A {strides = array<i32>} : memref<6400xf32, #tpu.memory_space<vmem>>, vector<16xf32>,
      %scan3A_62 = arith.constant 0 : i32
      scf.yield %scan3A_62 : i32
    }
    %scan3A_12 = arith.constant 400 : i32
    "tpu.region"() ({
      %run_scoped3A = tpu.sem_alloc : memref<!tpu.dma_semaphore, #tpu.memory_space<semaphore_mem>>
      %dma_start3A_39 = tpu.memref_slice %arg20[%mul3A_2] : memref<102400xf32, #tpu.memory_space<vmem_shared>> -> memref<6400xf32, #tpu.memory_space<vmem_shared>>
      %dma_start3A_40 = tpu.memref_slice %arg20[%mul3A_2] : memref<102400xf32, #tpu.memory_space<vmem_shared>> -> memref<6400xf32, #tpu.memory_space<vmem_shared>>
      tpu.enqueue_dma source(%arg19 : memref<6400xf32, #tpu.memory_space<vmem>>) target(%dma_start3A_40 : memref<6400xf32, #tpu.memory_space<vmem_shared>>) target_semaphore(%run_scoped3A : memref<!tpu.dma_semaphore, #tpu.memory_space<semaphore_mem>>)
      %dma_wait3A_41 = tpu.memref_slice %arg20[%mul3A_2] : memref<102400xf32, #tpu.memory_space<vmem_shared>> -> memref<6400xf32, #tpu.memory_space<vmem_shared>>
      %dma_wait3A_42 = tpu.memref_slice %arg20[%mul3A_2] : memref<102400xf32, #tpu.memory_space<vmem_shared>> -> memref<6400xf32, #tpu.memory_space<vmem_shared>>
      tpu.wait_dma2 semaphore(%run_scoped3A : memref<!tpu.dma_semaphore, #tpu.memory_space<semaphore_mem>>) src(%arg19 : memref<6400xf32, #tpu.memory_space<vmem>>) dst(%dma_wait3A_42 : memref<6400xf32, #tpu.memory_space<vmem_shared>>)
      tpu.yield
    }) : () -> ()
    %scan3A_13 = arith.constant 0 : i32
    %scan3A_14 = arith.constant 0 : i32
    %scan3A_15 = arith.constant 400 : i32
    %scan3A_16 = arith.addi %scan3A_14, %scan3A_15 : i32
    %scan3A_17 = arith.constant 1 : i32
    %scan3A_18 = scf.for %scan3A_39 = %scan3A_14 to %scan3A_16 step %scan3A_17 iter_args(%scan3A_40 = %scan3A_13) -> (i32)  : i32 {
      %broadcast_in_dim3A = arith.constant 0.000000e+00 : f32
      %broadcast_in_dim3A_41 = vector.broadcast %broadcast_in_dim3A : f32 to vector<16xf32>
      %mul3A_42 = arith.constant 16 : i32
      %mul3A_43 = arith.muli %scan3A_39, %mul3A_42 : i32
      %swap3A = arith.index_cast %mul3A_43 : i32 to index
      %swap3A_44 = tpu.vector_load %arg14[%swap3A] {strides = array<i32>} : memref<6400xf32, #tpu.memory_space<vmem>>, vector<16xf32>,
      tpu.vector_store %arg14[%swap3A], %broadcast_in_dim3A_41 {strides = array<i32>} : memref<6400xf32, #tpu.memory_space<vmem>>, vector<16xf32>,
      %scan3A_45 = arith.constant 0 : i32
      scf.yield %scan3A_45 : i32
    }
    %scan3A_19 = arith.constant 400 : i32
    "tpu.region"() ({
      %run_scoped3A = tpu.sem_alloc : memref<!tpu.dma_semaphore, #tpu.memory_space<semaphore_mem>>
      %dma_start3A_39 = tpu.memref_slice %arg21[%mul3A_2] : memref<102400xf32, #tpu.memory_space<vmem_shared>> -> memref<6400xf32, #tpu.memory_space<vmem_shared>>
      %dma_start3A_40 = tpu.memref_slice %arg21[%mul3A_2] : memref<102400xf32, #tpu.memory_space<vmem_shared>> -> memref<6400xf32, #tpu.memory_space<vmem_shared>>
      tpu.enqueue_dma source(%arg14 : memref<6400xf32, #tpu.memory_space<vmem>>) target(%dma_start3A_40 : memref<6400xf32, #tpu.memory_space<vmem_shared>>) target_semaphore(%run_scoped3A : memref<!tpu.dma_semaphore, #tpu.memory_space<semaphore_mem>>)
      %dma_wait3A_41 = tpu.memref_slice %arg21[%mul3A_2] : memref<102400xf32, #tpu.memory_space<vmem_shared>> -> memref<6400xf32, #tpu.memory_space<vmem_shared>>
      %dma_wait3A_42 = tpu.memref_slice %arg21[%mul3A_2] : memref<102400xf32, #tpu.memory_space<vmem_shared>> -> memref<6400xf32, #tpu.memory_space<vmem_shared>>
      tpu.wait_dma2 semaphore(%run_scoped3A : memref<!tpu.dma_semaphore, #tpu.memory_space<semaphore_mem>>) src(%arg14 : memref<6400xf32, #tpu.memory_space<vmem>>) dst(%dma_wait3A_42 : memref<6400xf32, #tpu.memory_space<vmem_shared>>)
      tpu.yield
    }) : () -> ()
    %barrier3A = arith.constant 0 : index
    tpu.barrier barrier_id(%barrier3A)
    %mul3A_20 = arith.constant 200000 : i32
    %mul3A_21 = arith.muli %add3A, %mul3A_20 : i32
    %add3A_22 = arith.constant 0 : i32
    %add3A_23 = arith.addi %mul3A_21, %add3A_22 : i32
    "tpu.region"() ({
      %run_scoped3A = tpu.sem_alloc : memref<!tpu.dma_semaphore, #tpu.memory_space<semaphore_mem>>
      %dma_start3A_39 = tpu.memref_slice %arg2[%add3A_23] : memref<12800000xi32, #tpu.memory_space<hbm>> -> memref<10000xi32, #tpu.memory_space<hbm>>
      %dma_start3A_40 = tpu.memref_slice %arg2[%add3A_23] : memref<12800000xi32, #tpu.memory_space<hbm>> -> memref<10000xi32, #tpu.memory_space<hbm>>
      tpu.enqueue_dma source(%dma_start3A_40 : memref<10000xi32, #tpu.memory_space<hbm>>) target(%arg8 : memref<10000xi32, #tpu.memory_space<vmem>>) target_semaphore(%run_scoped3A : memref<!tpu.dma_semaphore, #tpu.memory_space<semaphore_mem>>)
      %dma_wait3A_41 = tpu.memref_slice %arg2[%add3A_23] : memref<12800000xi32, #tpu.memory_space<hbm>> -> memref<10000xi32, #tpu.memory_space<hbm>>
      %dma_wait3A_42 = tpu.memref_slice %arg2[%add3A_23] : memref<12800000xi32, #tpu.memory_space<hbm>> -> memref<10000xi32, #tpu.memory_space<hbm>>
      tpu.wait_dma2 semaphore(%run_scoped3A : memref<!tpu.dma_semaphore, #tpu.memory_space<semaphore_mem>>) src(%dma_wait3A_42 : memref<10000xi32, #tpu.memory_space<hbm>>) dst(%arg8 : memref<10000xi32, #tpu.memory_space<vmem>>)
      tpu.yield
    }) : () -> ()
    %add3A_24 = arith.constant 6400000 : i32
    %add3A_25 = arith.addi %add3A_24, %add3A_23 : i32
    "tpu.region"() ({
      %run_scoped3A = tpu.sem_alloc : memref<!tpu.dma_semaphore, #tpu.memory_space<semaphore_mem>>
      %dma_start3A_39 = tpu.memref_slice %arg2[%add3A_25] : memref<12800000xi32, #tpu.memory_space<hbm>> -> memref<10000xi32, #tpu.memory_space<hbm>>
      %dma_start3A_40 = tpu.memref_slice %arg2[%add3A_25] : memref<12800000xi32, #tpu.memory_space<hbm>> -> memref<10000xi32, #tpu.memory_space<hbm>>
      tpu.enqueue_dma source(%dma_start3A_40 : memref<10000xi32, #tpu.memory_space<hbm>>) target(%arg10 : memref<10000xi32, #tpu.memory_space<vmem>>) target_semaphore(%run_scoped3A : memref<!tpu.dma_semaphore, #tpu.memory_space<semaphore_mem>>)
      %dma_wait3A_41 = tpu.memref_slice %arg2[%add3A_25] : memref<12800000xi32, #tpu.memory_space<hbm>> -> memref<10000xi32, #tpu.memory_space<hbm>>
      %dma_wait3A_42 = tpu.memref_slice %arg2[%add3A_25] : memref<12800000xi32, #tpu.memory_space<hbm>> -> memref<10000xi32, #tpu.memory_space<hbm>>
      tpu.wait_dma2 semaphore(%run_scoped3A : memref<!tpu.dma_semaphore, #tpu.memory_space<semaphore_mem>>) src(%dma_wait3A_42 : memref<10000xi32, #tpu.memory_space<hbm>>) dst(%arg10 : memref<10000xi32, #tpu.memory_space<vmem>>)
      tpu.yield
    }) : () -> ()
    %dma_start3A = arith.constant 0 : i32
    %dma_start3A_26 = tpu.memref_slice %arg20[%dma_start3A] : memref<102400xf32, #tpu.memory_space<vmem_shared>> -> memref<102400xf32, #tpu.memory_space<vmem_shared>>
    tpu.enqueue_indirect_dma source(%dma_start3A_26 : memref<102400xf32, #tpu.memory_space<vmem_shared>>) target(%arg12 : memref<10000xf32, #tpu.memory_space<vmem>>) offsets(%arg10 : memref<10000xi32, #tpu.memory_space<vmem>>) semaphore(%arg22 : memref<!tpu.dma_semaphore, #tpu.memory_space<semaphore_mem>>)
    %dma_wait3A = arith.constant 0 : i32
    %dma_wait3A_27 = tpu.memref_slice %arg20[%dma_wait3A] : memref<102400xf32, #tpu.memory_space<vmem_shared>> -> memref<102400xf32, #tpu.memory_space<vmem_shared>>
    tpu.wait_indirect_dma semaphore(%arg22 : memref<!tpu.dma_semaphore, #tpu.memory_space<semaphore_mem>>) src(%dma_wait3A_27 : memref<102400xf32, #tpu.memory_space<vmem_shared>>) dst(%arg12 : memref<10000xf32, #tpu.memory_space<vmem>>)
    %scan3A_28 = arith.constant 0 : i32
    %scan3A_29 = arith.constant 0 : i32
    %scan3A_30 = arith.constant 10 : i32
    %scan3A_31 = arith.addi %scan3A_29, %scan3A_30 : i32
    %scan3A_32 = arith.constant 1 : i32
    %scan3A_33 = scf.for %scan3A_39 = %scan3A_29 to %scan3A_31 step %scan3A_32 iter_args(%scan3A_40 = %scan3A_28) -> (i32)  : i32 {
      %mul3A_41 = arith.constant 2 : i32
      %mul3A_42 = arith.muli %mul3A_41, %scan3A_39 : i32
      %dma_start3A_43 = arith.constant 0 : i32
      %dma_start3A_44 = tpu.memref_slice %arg21[%dma_start3A_43] : memref<102400xf32, #tpu.memory_space<vmem_shared>> -> memref<102400xf32, #tpu.memory_space<vmem_shared>>
      tpu.enqueue_indirect_dma source(%arg12 : memref<10000xf32, #tpu.memory_space<vmem>>) target(%dma_start3A_44 : memref<102400xf32, #tpu.memory_space<vmem_shared>>) offsets(%arg8 : memref<10000xi32, #tpu.memory_space<vmem>>) semaphore(%arg23 : memref<!tpu.dma_semaphore, #tpu.memory_space<semaphore_mem>>) {add = true}
      %add3A_45 = arith.constant 1 : i32
      %add3A_46 = arith.addi %mul3A_42, %add3A_45 : i32
      %mul3A_47 = arith.constant 200000 : i32
      %mul3A_48 = arith.muli %add3A, %mul3A_47 : i32
      %mul3A_49 = arith.constant 10000 : i32
      %mul3A_50 = arith.muli %add3A_46, %mul3A_49 : i32
      %add3A_51 = arith.addi %mul3A_48, %mul3A_50 : i32
      "tpu.region"() ({
        %run_scoped3A = tpu.sem_alloc : memref<!tpu.dma_semaphore, #tpu.memory_space<semaphore_mem>>
        %dma_start3A_79 = tpu.memref_slice %arg2[%add3A_51] : memref<12800000xi32, #tpu.memory_space<hbm>> -> memref<10000xi32, #tpu.memory_space<hbm>>
        %dma_start3A_80 = tpu.memref_slice %arg2[%add3A_51] : memref<12800000xi32, #tpu.memory_space<hbm>> -> memref<10000xi32, #tpu.memory_space<hbm>>
        tpu.enqueue_dma source(%dma_start3A_80 : memref<10000xi32, #tpu.memory_space<hbm>>) target(%arg9 : memref<10000xi32, #tpu.memory_space<vmem>>) target_semaphore(%run_scoped3A : memref<!tpu.dma_semaphore, #tpu.memory_space<semaphore_mem>>)
        %dma_wait3A_81 = tpu.memref_slice %arg2[%add3A_51] : memref<12800000xi32, #tpu.memory_space<hbm>> -> memref<10000xi32, #tpu.memory_space<hbm>>
        %dma_wait3A_82 = tpu.memref_slice %arg2[%add3A_51] : memref<12800000xi32, #tpu.memory_space<hbm>> -> memref<10000xi32, #tpu.memory_space<hbm>>
        tpu.wait_dma2 semaphore(%run_scoped3A : memref<!tpu.dma_semaphore, #tpu.memory_space<semaphore_mem>>) src(%dma_wait3A_82 : memref<10000xi32, #tpu.memory_space<hbm>>) dst(%arg9 : memref<10000xi32, #tpu.memory_space<vmem>>)
        tpu.yield
      }) : () -> ()
      %add3A_52 = arith.constant 6400000 : i32
      %add3A_53 = arith.addi %add3A_52, %add3A_51 : i32
      "tpu.region"() ({
        %run_scoped3A = tpu.sem_alloc : memref<!tpu.dma_semaphore, #tpu.memory_space<semaphore_mem>>
        %dma_start3A_79 = tpu.memref_slice %arg2[%add3A_53] : memref<12800000xi32, #tpu.memory_space<hbm>> -> memref<10000xi32, #tpu.memory_space<hbm>>
        %dma_start3A_80 = tpu.memref_slice %arg2[%add3A_53] : memref<12800000xi32, #tpu.memory_space<hbm>> -> memref<10000xi32, #tpu.memory_space<hbm>>
        tpu.enqueue_dma source(%dma_start3A_80 : memref<10000xi32, #tpu.memory_space<hbm>>) target(%arg11 : memref<10000xi32, #tpu.memory_space<vmem>>) target_semaphore(%run_scoped3A : memref<!tpu.dma_semaphore, #tpu.memory_space<semaphore_mem>>)
        %dma_wait3A_81 = tpu.memref_slice %arg2[%add3A_53] : memref<12800000xi32, #tpu.memory_space<hbm>> -> memref<10000xi32, #tpu.memory_space<hbm>>
        %dma_wait3A_82 = tpu.memref_slice %arg2[%add3A_53] : memref<12800000xi32, #tpu.memory_space<hbm>> -> memref<10000xi32, #tpu.memory_space<hbm>>
        tpu.wait_dma2 semaphore(%run_scoped3A : memref<!tpu.dma_semaphore, #tpu.memory_space<semaphore_mem>>) src(%dma_wait3A_82 : memref<10000xi32, #tpu.memory_space<hbm>>) dst(%arg11 : memref<10000xi32, #tpu.memory_space<vmem>>)
        tpu.yield
      }) : () -> ()
      %dma_start3A_54 = arith.constant 0 : i32
      %dma_start3A_55 = tpu.memref_slice %arg20[%dma_start3A_54] : memref<102400xf32, #tpu.memory_space<vmem_shared>> -> memref<102400xf32, #tpu.memory_space<vmem_shared>>
      tpu.enqueue_indirect_dma source(%dma_start3A_55 : memref<102400xf32, #tpu.memory_space<vmem_shared>>) target(%arg13 : memref<10000xf32, #tpu.memory_space<vmem>>) offsets(%arg11 : memref<10000xi32, #tpu.memory_space<vmem>>) semaphore(%arg22 : memref<!tpu.dma_semaphore, #tpu.memory_space<semaphore_mem>>)
      %dma_wait3A_56 = arith.constant 0 : i32
      %dma_wait3A_57 = tpu.memref_slice %arg20[%dma_wait3A_56] : memref<102400xf32, #tpu.memory_space<vmem_shared>> -> memref<102400xf32, #tpu.memory_space<vmem_shared>>
      tpu.wait_indirect_dma semaphore(%arg22 : memref<!tpu.dma_semaphore, #tpu.memory_space<semaphore_mem>>) src(%dma_wait3A_57 : memref<102400xf32, #tpu.memory_space<vmem_shared>>) dst(%arg13 : memref<10000xf32, #tpu.memory_space<vmem>>)
      %dma_start3A_58 = arith.constant 0 : i32
      %dma_start3A_59 = tpu.memref_slice %arg21[%dma_start3A_58] : memref<102400xf32, #tpu.memory_space<vmem_shared>> -> memref<102400xf32, #tpu.memory_space<vmem_shared>>
      tpu.enqueue_indirect_dma source(%arg13 : memref<10000xf32, #tpu.memory_space<vmem>>) target(%dma_start3A_59 : memref<102400xf32, #tpu.memory_space<vmem_shared>>) offsets(%arg9 : memref<10000xi32, #tpu.memory_space<vmem>>) semaphore(%arg24 : memref<!tpu.dma_semaphore, #tpu.memory_space<semaphore_mem>>) {add = true}
      %dma_wait3A_60 = arith.constant 0 : i32
      %dma_wait3A_61 = tpu.memref_slice %arg21[%dma_wait3A_60] : memref<102400xf32, #tpu.memory_space<vmem_shared>> -> memref<102400xf32, #tpu.memory_space<vmem_shared>>
      tpu.wait_indirect_dma semaphore(%arg23 : memref<!tpu.dma_semaphore, #tpu.memory_space<semaphore_mem>>) src(%arg12 : memref<10000xf32, #tpu.memory_space<vmem>>) dst(%dma_wait3A_61 : memref<102400xf32, #tpu.memory_space<vmem_shared>>)
      %add3A_62 = arith.constant 2 : i32
      %add3A_63 = arith.addi %mul3A_42, %add3A_62 : i32
      %min3A = arith.constant 19 : i32
      %min3A_64 = arith.minsi %add3A_63, %min3A : i32
      %mul3A_65 = arith.constant 200000 : i32
      %mul3A_66 = arith.muli %add3A, %mul3A_65 : i32
      %mul3A_67 = arith.constant 10000 : i32
      %mul3A_68 = arith.muli %min3A_64, %mul3A_67 : i32
      %add3A_69 = arith.addi %mul3A_66, %mul3A_68 : i32
      "tpu.region"() ({
        %run_scoped3A = tpu.sem_alloc : memref<!tpu.dma_semaphore, #tpu.memory_space<semaphore_mem>>
        %dma_start3A_79 = tpu.memref_slice %arg2[%add3A_69] : memref<12800000xi32, #tpu.memory_space<hbm>> -> memref<10000xi32, #tpu.memory_space<hbm>>
        %dma_start3A_80 = tpu.memref_slice %arg2[%add3A_69] : memref<12800000xi32, #tpu.memory_space<hbm>> -> memref<10000xi32, #tpu.memory_space<hbm>>
        tpu.enqueue_dma source(%dma_start3A_80 : memref<10000xi32, #tpu.memory_space<hbm>>) target(%arg8 : memref<10000xi32, #tpu.memory_space<vmem>>) target_semaphore(%run_scoped3A : memref<!tpu.dma_semaphore, #tpu.memory_space<semaphore_mem>>)
        %dma_wait3A_81 = tpu.memref_slice %arg2[%add3A_69] : memref<12800000xi32, #tpu.memory_space<hbm>> -> memref<10000xi32, #tpu.memory_space<hbm>>
        %dma_wait3A_82 = tpu.memref_slice %arg2[%add3A_69] : memref<12800000xi32, #tpu.memory_space<hbm>> -> memref<10000xi32, #tpu.memory_space<hbm>>
        tpu.wait_dma2 semaphore(%run_scoped3A : memref<!tpu.dma_semaphore, #tpu.memory_space<semaphore_mem>>) src(%dma_wait3A_82 : memref<10000xi32, #tpu.memory_space<hbm>>) dst(%arg8 : memref<10000xi32, #tpu.memory_space<vmem>>)
        tpu.yield
      }) : () -> ()
      %add3A_70 = arith.constant 6400000 : i32
      %add3A_71 = arith.addi %add3A_70, %add3A_69 : i32
      "tpu.region"() ({
        %run_scoped3A = tpu.sem_alloc : memref<!tpu.dma_semaphore, #tpu.memory_space<semaphore_mem>>
        %dma_start3A_79 = tpu.memref_slice %arg2[%add3A_71] : memref<12800000xi32, #tpu.memory_space<hbm>> -> memref<10000xi32, #tpu.memory_space<hbm>>
        %dma_start3A_80 = tpu.memref_slice %arg2[%add3A_71] : memref<12800000xi32, #tpu.memory_space<hbm>> -> memref<10000xi32, #tpu.memory_space<hbm>>
        tpu.enqueue_dma source(%dma_start3A_80 : memref<10000xi32, #tpu.memory_space<hbm>>) target(%arg10 : memref<10000xi32, #tpu.memory_space<vmem>>) target_semaphore(%run_scoped3A : memref<!tpu.dma_semaphore, #tpu.memory_space<semaphore_mem>>)
        %dma_wait3A_81 = tpu.memref_slice %arg2[%add3A_71] : memref<12800000xi32, #tpu.memory_space<hbm>> -> memref<10000xi32, #tpu.memory_space<hbm>>
        %dma_wait3A_82 = tpu.memref_slice %arg2[%add3A_71] : memref<12800000xi32, #tpu.memory_space<hbm>> -> memref<10000xi32, #tpu.memory_space<hbm>>
        tpu.wait_dma2 semaphore(%run_scoped3A : memref<!tpu.dma_semaphore, #tpu.memory_space<semaphore_mem>>) src(%dma_wait3A_82 : memref<10000xi32, #tpu.memory_space<hbm>>) dst(%arg10 : memref<10000xi32, #tpu.memory_space<vmem>>)
        tpu.yield
      }) : () -> ()
      %dma_start3A_72 = arith.constant 0 : i32
      %dma_start3A_73 = tpu.memref_slice %arg20[%dma_start3A_72] : memref<102400xf32, #tpu.memory_space<vmem_shared>> -> memref<102400xf32, #tpu.memory_space<vmem_shared>>
      tpu.enqueue_indirect_dma source(%dma_start3A_73 : memref<102400xf32, #tpu.memory_space<vmem_shared>>) target(%arg12 : memref<10000xf32, #tpu.memory_space<vmem>>) offsets(%arg10 : memref<10000xi32, #tpu.memory_space<vmem>>) semaphore(%arg22 : memref<!tpu.dma_semaphore, #tpu.memory_space<semaphore_mem>>)
      %dma_wait3A_74 = arith.constant 0 : i32
      %dma_wait3A_75 = tpu.memref_slice %arg20[%dma_wait3A_74] : memref<102400xf32, #tpu.memory_space<vmem_shared>> -> memref<102400xf32, #tpu.memory_space<vmem_shared>>
      tpu.wait_indirect_dma semaphore(%arg22 : memref<!tpu.dma_semaphore, #tpu.memory_space<semaphore_mem>>) src(%dma_wait3A_75 : memref<102400xf32, #tpu.memory_space<vmem_shared>>) dst(%arg12 : memref<10000xf32, #tpu.memory_space<vmem>>)
      %dma_wait3A_76 = arith.constant 0 : i32
      %dma_wait3A_77 = tpu.memref_slice %arg21[%dma_wait3A_76] : memref<102400xf32, #tpu.memory_space<vmem_shared>> -> memref<102400xf32, #tpu.memory_space<vmem_shared>>
      tpu.wait_indirect_dma semaphore(%arg24 : memref<!tpu.dma_semaphore, #tpu.memory_space<semaphore_mem>>) src(%arg13 : memref<10000xf32, #tpu.memory_space<vmem>>) dst(%dma_wait3A_77 : memref<102400xf32, #tpu.memory_space<vmem_shared>>)
      %scan3A_78 = arith.constant 0 : i32
      scf.yield %scan3A_78 : i32
    }
    %scan3A_34 = arith.constant 10 : i32
    %barrier3A_35 = arith.constant 0 : index
    tpu.barrier barrier_id(%barrier3A_35)
    "tpu.region"() ({
      %run_scoped3A = tpu.sem_alloc : memref<!tpu.dma_semaphore, #tpu.memory_space<semaphore_mem>>
      %dma_start3A_39 = tpu.memref_slice %arg21[%mul3A_2] : memref<102400xf32, #tpu.memory_space<vmem_shared>> -> memref<6400xf32, #tpu.memory_space<vmem_shared>>
      %dma_start3A_40 = tpu.memref_slice %arg21[%mul3A_2] : memref<102400xf32, #tpu.memory_space<vmem_shared>> -> memref<6400xf32, #tpu.memory_space<vmem_shared>>
      tpu.enqueue_dma source(%dma_start3A_40 : memref<6400xf32, #tpu.memory_space<vmem_shared>>) target(%arg14 : memref<6400xf32, #tpu.memory_space<vmem>>) target_semaphore(%run_scoped3A : memref<!tpu.dma_semaphore, #tpu.memory_space<semaphore_mem>>)
      %dma_wait3A_41 = tpu.memref_slice %arg21[%mul3A_2] : memref<102400xf32, #tpu.memory_space<vmem_shared>> -> memref<6400xf32, #tpu.memory_space<vmem_shared>>
      %dma_wait3A_42 = tpu.memref_slice %arg21[%mul3A_2] : memref<102400xf32, #tpu.memory_space<vmem_shared>> -> memref<6400xf32, #tpu.memory_space<vmem_shared>>
      tpu.wait_dma2 semaphore(%run_scoped3A : memref<!tpu.dma_semaphore, #tpu.memory_space<semaphore_mem>>) src(%dma_wait3A_42 : memref<6400xf32, #tpu.memory_space<vmem_shared>>) dst(%arg14 : memref<6400xf32, #tpu.memory_space<vmem>>)
      tpu.yield
    }) : () -> ()
    %mul3A_36 = arith.constant 102400 : i32
    %mul3A_37 = arith.muli %arg0, %mul3A_36 : i32
    %add3A_38 = arith.addi %mul3A_37, %mul3A_2 : i32
    "tpu.region"() ({
      %run_scoped3A = tpu.sem_alloc : memref<!tpu.dma_semaphore, #tpu.memory_space<semaphore_mem>>
      %dma_start3A_39 = tpu.memref_slice %arg7[%add3A_38] : memref<204800xf32, #tpu.memory_space<hbm>> -> memref<6400xf32, #tpu.memory_space<hbm>>
      %dma_start3A_40 = tpu.memref_slice %arg7[%add3A_38] : memref<204800xf32, #tpu.memory_space<hbm>> -> memref<6400xf32, #tpu.memory_space<hbm>>
      tpu.enqueue_dma source(%arg14 : memref<6400xf32, #tpu.memory_space<vmem>>) target(%dma_start3A_40 : memref<6400xf32, #tpu.memory_space<hbm>>) target_semaphore(%run_scoped3A : memref<!tpu.dma_semaphore, #tpu.memory_space<semaphore_mem>>)
      %dma_wait3A_41 = tpu.memref_slice %arg7[%add3A_38] : memref<204800xf32, #tpu.memory_space<hbm>> -> memref<6400xf32, #tpu.memory_space<hbm>>
      %dma_wait3A_42 = tpu.memref_slice %arg7[%add3A_38] : memref<204800xf32, #tpu.memory_space<hbm>> -> memref<6400xf32, #tpu.memory_space<hbm>>
      tpu.wait_dma2 semaphore(%run_scoped3A : memref<!tpu.dma_semaphore, #tpu.memory_space<semaphore_mem>>) src(%arg14 : memref<6400xf32, #tpu.memory_space<vmem>>) dst(%dma_wait3A_42 : memref<6400xf32, #tpu.memory_space<hbm>>)
      tpu.yield
    }) : () -> ()
    return
  }
}

module attributes {stable_mosaic.version = 14 : i64} {
  func.func @_combine_body(%arg0: memref<2x102400xf32, #tpu.memory_space<vmem>>, %arg1: memref<1x1xf32, #tpu.memory_space<vmem>>, %arg2: memref<1x1xf32, #tpu.memory_space<vmem>>, %arg3: memref<1x102400xf32, #tpu.memory_space<vmem>>) attributes {dimension_semantics = [], scalar_prefetch = 0 : i64, scratch_operands = 0 : i64, tpu.core_type = #tpu.core_type<tc>} {
    %get3A = arith.constant 0 : index
    %get3A_0 = arith.constant 0 : index
    %get3A_1 = vector.load %arg0[%get3A, %get3A_0] : memref<2x102400xf32, #tpu.memory_space<vmem>>, vector<1x102400xf32>
    %get3A_2 = arith.constant 1 : index
    %get3A_3 = arith.constant 0 : index
    %get3A_4 = vector.load %arg0[%get3A_2, %get3A_3] : memref<2x102400xf32, #tpu.memory_space<vmem>>, vector<1x102400xf32>
    %add3A = arith.addf %get3A_1, %get3A_4 : vector<1x102400xf32>
    %get3A_5 = arith.constant 0 : index
    %get3A_6 = arith.constant 0 : index
    %get3A_7 = vector.load %arg1[%get3A_5, %get3A_6] : memref<1x1xf32, #tpu.memory_space<vmem>>, vector<1x1xf32>
    %get3A_8 = vector.extract %get3A_7[0, 0] : f32 from vector<1x1xf32>
    %mul3A = arith.constant 1.000000e+00 : f32
    %mul3A_9 = arith.mulf %mul3A, %get3A_8 : f32
    %mul3A_10 = vector.broadcast %mul3A_9 : f32 to vector<1x102400xf32>
    %mul3A_11 = arith.mulf %add3A, %mul3A_10 : vector<1x102400xf32>
    %get3A_12 = arith.constant 0 : index
    %get3A_13 = arith.constant 0 : index
    %get3A_14 = vector.load %arg2[%get3A_12, %get3A_13] : memref<1x1xf32, #tpu.memory_space<vmem>>, vector<1x1xf32>
    %get3A_15 = vector.extract %get3A_14[0, 0] : f32 from vector<1x1xf32>
    %add3A_16 = vector.broadcast %get3A_15 : f32 to vector<1x102400xf32>
    %add3A_17 = arith.addf %mul3A_11, %add3A_16 : vector<1x102400xf32>
    %swap3A = arith.constant 0 : index
    %swap3A_18 = arith.constant 0 : index
    %swap3A_19 = vector.load %arg3[%swap3A, %swap3A_18] : memref<1x102400xf32, #tpu.memory_space<vmem>>, vector<1x102400xf32>
    tpu.vector_store %arg3[%swap3A, %swap3A_18], %add3A_17 {strides = array<i32>} : memref<1x102400xf32, #tpu.memory_space<vmem>>, vector<1x102400xf32>,
    return
  }
}

</mosaic_0001>

<sc_bundles>
// kernel: kernel.5.cloned.1.call-start
scs
__scs_entry_jumppad:
0x0: {  	(pc) =	sbr.rel $0x88, $3  }
0x1: {  	(tag) =	ssettag $0x0;
	lr =	simm.s32 $0x1  }
0x2: {  	[smem:$0x3F9B] =	sst lr;
	_ =	strace $0xD0000000  }
0x3: {  	_ = 	snop  }
0x4: {  	_ = 	snop  }
0x5: {  	_ = 	snop  }
0x6: {  	_ = 	snop  }
0x7: {  	_ = 	snop  }
__scs_overlays_trampoline_lowered:
0x8: {  	[smem:$0x3FAA] =	sst s0  }
0x9: {  	[smem:$0x3FAB] =	sst s1  }
0xa: {  	[smem:$0x3FAC] =	sst s2  }
0xb: {  	[smem:$0x3FAD] =	sst s3  }
0xc: {  	[smem:$0x3FAE] =	sst s4  }
0xd: {  	[smem:$0x3FAF] =	sst s5  }
0xe: {  	[smem:$0x3FB0] =	sst s6  }
0xf: {  	[smem:$0x3FB1] =	sst s7  }
0x10: {  	[smem:$0x3FB2] =	sst s8  }
0x11: {  	[smem:$0x3FB3] =	sst s9;
	s0 =	simm.s32 @!p0 $0x0  }
0x12: {  	s1 =	sld [smem:$0x3F99];
	s0 =	simm.s32 @p0 $0x1  }
0x13: {  	[smem:$0x3FB4] =	sst s0;
	s0 =	simm.s32 @!p1 $0x0  }
0x14: {  	s2 =	sld [smem:$0x3F98];
	s0 =	simm.s32 @p1 $0x1  }
0x15: {  	[smem:$0x3FB5] =	sst s0;
	s0 =	simm.s32 @!p2 $0x0  }
0x16: {  	s3 =	sld [smem:$0x3FDB];
	s0 =	simm.s32 @p2 $0x1  }
0x17: {  	s4 =	simm.s32 $0x1BF5;
	[smem:$0x3FB7] =	sst s0  }
0x18: {  	s0 =	sld [smem:$0x3F9A];
	_ =	swait.ge [sflag:s4], $0x0  }
0x19: {  	s7 =	sld [smem:$0x3F9B]  }
0x1a: {  	s8 =	sadd.s32 $0xFFFFE003, lr  }
0x1b: {  	s9 =	sadd.s32 $0xFFFFFEF7, lr;
	s5 =	simm.s32 $0xFFFFFFFF;
	p2 =	slt.u32 s8, $0xFFFFF086  }
0x1c: {  	p1 =	slt.u32 s9, $0xF7A;
	s5 =	simm.s32 @!p2 $0x0  }
0x1d: {  	s5 =	simm.s32 @p1 $0x1;
	p0 =	seq.s32 s7, s2  }
0x1e: {  	s7 =	smul.u32 @!p0 $0xF7A, s2;
	p2 =	seq.s32 @!p0 s5, $0x0  }
0x1f: {  	s9 =	smul.u32 $0xF7A, s1;
	s8 =	simm.s32 @!p0 $0x1BF5;
	p2 =	por !p2, p0  }
0x20: {  	[sflag:s8] =	ssyncset.s32 @!p0 $0xFFFFF086;
	s6 =	sadd.s32 @!p0 s3, s7;
	s7 =	simm.s32 @!p0 $0x108  }
0x21: {  	s3 =	sadd.s32 s3, s9;
	s6 =	sadd.s32 @!p0 $0x88, s6;
	s7 =	simm.s32 @p2 $0x1082  }
0x22: {  	[simem:s7], [sflag:s8] =	dma.local @!p0 [hbm:s6], $0xF7A  }
0x23: {  	s9 =	sor.u32 $0xD0000000, s2;
	s6 =	simm.s32 $0x108;
	_ =	swait.ge @!p0 [sflag:s8], $0x0  }
0x24: {  	s3 =	sadd.s32 $0x88, s3;
	s6 =	simm.s32 @!p1 $0x1082;
	[sflag:s4] =	ssyncset.s32 $0xFFFFF086  }
0x25: {  	[simem:s6], [sflag:s4] =	dma.local [hbm:s3], $0xF7A  }
0x26: {  	[smem:$0x3F9B] =	sst s1;
	(tag) =	ssettag s2;
	_ =	strace s9  }
0x27: {  	s1 =	sld [smem:$0x3FAB]  }
0x28: {  	s2 =	sld [smem:$0x3FAC]  }
0x29: {  	s4 =	sld [smem:$0x3FAE]  }
0x2a: {  	p0 =	seq.s32 s5, $0x0;
	s5 =	sld [smem:$0x3FAF]  }
0x2b: {  	s6 =	sld [smem:$0x3FB0]  }
0x2c: {  	s7 =	sld [smem:$0x3FB1]  }
0x2d: {  	s3 =	simm.s32 $0x108;
	s8 =	sld [smem:$0x3FB2]  }
0x2e: {  	s3 =	simm.s32 @!p0 $0x1082;
	s9 =	sld [smem:$0x3FB3]  }
0x2f: {  	lr =	sadd.s32 s0, s3;
	s0 =	sld [smem:$0x3FAA]  }
0x30: {  	s3 =	sld [smem:$0x3FAD]  }
0x31: {  	[smem:$0x3FB6] =	sst s10  }
0x32: {  	s10 =	sld [smem:$0x3FB4];
	_ =	sdelay $0x3  }
0x33: {  	p0 =	seq.s32 s10, $0x1;
	s10 =	sld [smem:$0x3FB6];
	_ =	sdelay $0x3  }
0x34: {  	[smem:$0x3FB6] =	sst s10  }
0x35: {  	s10 =	sld [smem:$0x3FB5];
	_ =	sdelay $0x3  }
0x36: {  	p1 =	seq.s32 s10, $0x1;
	s10 =	sld [smem:$0x3FB6];
	_ =	sdelay $0x3  }
0x37: {  	[smem:$0x3FB6] =	sst s10  }
0x38: {  	s10 =	sld [smem:$0x3FB7]  }
0x39: {  	_ = 	snop;
	(pc) =	sbr.ind lr, $3  }
0x3a: {  	_ = 	snop  }
0x3b: {  	_ = 	snop  }
0x3c: {  	p2 =	seq.s32 s10, $0x1;
	s10 =	sld [smem:$0x3FB6]  }
0x3d: {  	_ =	shalt  }
0x3e: {  	_ =	shalt  }
0x3f: {  	_ =	shalt  }
0x40: {  	_ =	shalt  }
0x41: {  	_ =	shalt  }
0x42: {  	_ =	shalt  }
0x43: {  	_ =	shalt  }
0x44: {  	_ =	shalt  }
0x45: {  	_ =	shalt  }
0x46: {  	_ =	shalt  }
0x47: {  	_ =	shalt  }
0x48: {  	_ =	shalt  }
0x49: {  	_ =	shalt  }
0x4a: {  	_ =	shalt  }
0x4b: {  	_ =	shalt  }
0x4c: {  	_ =	shalt  }
0x4d: {  	_ =	shalt  }
0x4e: {  	_ =	shalt  }
0x4f: {  	_ =	shalt  }
0x50: {  	_ =	shalt  }
0x51: {  	_ =	shalt  }
0x52: {  	_ =	shalt  }
0x53: {  	_ =	shalt  }
0x54: {  	_ =	shalt  }
0x55: {  	_ =	shalt  }
0x56: {  	_ =	shalt  }
0x57: {  	_ =	shalt  }
0x58: {  	_ =	shalt  }
0x59: {  	_ =	shalt  }
0x5a: {  	_ =	shalt  }
0x5b: {  	_ =	shalt  }
0x5c: {  	_ =	shalt  }
0x5d: {  	_ =	shalt  }
0x5e: {  	_ =	shalt  }
0x5f: {  	_ =	shalt  }
0x60: {  	_ =	shalt  }
0x61: {  	_ =	shalt  }
0x62: {  	_ =	shalt  }
0x63: {  	_ =	shalt  }
0x64: {  	_ =	shalt  }
0x65: {  	_ =	shalt  }
0x66: {  	_ =	shalt  }
0x67: {  	_ =	shalt  }
0x68: {  	_ =	shalt  }
0x69: {  	_ =	shalt  }
0x6a: {  	_ =	shalt  }
0x6b: {  	_ =	shalt  }
0x6c: {  	_ =	shalt  }
0x6d: {  	_ =	shalt  }
0x6e: {  	_ =	shalt  }
0x6f: {  	_ =	shalt  }
0x70: {  	_ =	shalt  }
0x71: {  	_ =	shalt  }
0x72: {  	_ =	shalt  }
0x73: {  	_ =	shalt  }
0x74: {  	_ =	shalt  }
0x75: {  	_ =	shalt  }
0x76: {  	_ =	shalt  }
0x77: {  	_ =	shalt  }
0x78: {  	_ =	shalt  }
0x79: {  	_ =	shalt  }
0x7a: {  	_ =	shalt  }
0x7b: {  	_ =	shalt  }
0x7c: {  	_ =	shalt  }
0x7d: {  	_ =	shalt  }
0x7e: {  	_ =	shalt  }
0x7f: {  	_ =	shalt  }
0x80: {  	_ =	shalt  }
0x81: {  	_ =	shalt  }
0x82: {  	_ =	shalt  }
0x83: {  	_ =	shalt  }
0x84: {  	_ =	shalt  }
0x85: {  	_ =	shalt  }
0x86: {  	_ =	shalt  }
0x87: {  	_ =	shalt  }
.Lfunc_end0:
.L_simem_size_0:
called_computation.1_lowered:
.L_overlay_start_0:
0x88: {  	s2 =	sld [smem:$0x3FD9]  }
0x89: {  	s3 =	sld [smem:$0x3FFE];
	_ =	sdelay $0x1  }
0x8a: {  	s1 =	srdreg.scid  }
0x8b: {  	s0 =	sand.u32 $0x1, s1  }
0x8c: {  	s16 =	sshll.u32 s0, $0xA;
	s2 =	sadd.s32 s3, s2  }
0x8d: {  	s2 =	sadd.s32 s2, s16  }
0x8e: {  	[smem:$0x3FC2] =	sst s2  }
0x8f: {  	_ = 	snop  }
0x90: {  	(tm) =	ssettm $0x1  }
0x91: {  	s17 =	sld [smem:$0x3FFB];
	_ =	sdelay $0x3  }
0x92: {  	_ =	strace s17  }
0x93: {  	s2 =	sld [smem:$0x3FFC];
	_ =	sdelay $0x3  }
0x94: {  	_ =	strace s2  }
0x95: {  	s2 =	sld [smem:$0x3FFD];
	_ =	sdelay $0x3  }
0x96: {  	_ =	strace s2  }
0x97: {  	_ =	strace $0x8FFFFFFF  }
0x98: {  	s18 =	sld [smem:$0x3FDB];
	_ =	sdelay $0x1  }
0x99: {  	s19 =	simm.s32 $_scs_section_size  }
0x9a: {  	s4 =	simm.s32 $_size__tile_overlayer_lowered;
	s5 =	simm.s32 $_tile_overlayer_lowered  }
0x9b: {  	s22 =	simm.s32 $0x1BFF;
	s21 =	sshll.u32 s5, $0x1;
	s2 =	sadd.s32 s19, s18  }
0x9c: {  	s6 =	simm.s32 $0x0;
	s20 =	sshll.u32 s4, $0x1;
	s4 =	sadd.s32 s21, s2  }
0x9d: {  	[timem:s6], [sflag:s22] =	dma.local [hbm:s4], s20  }
0x9e: {  	_ =	swait.ge [sflag:s22], s20  }
0x9f: {  	s3 =	ssub.s32 $0x0, s20;
	[sflag:s22] =	ssyncset.done $0x0  }
0xa0: {  	[sflag:s22] =	ssyncadd.s32 s3;
	_ =	sdelay $0x1  }
0xa1: {  	s23 =	simm.s32 $0x1B8B  }
0xa2: {  	_ =	swait.ge [sflag:s23], $0x1  }
0xa3: {  	[sflag:s23] =	ssyncset.done $0x0  }
0xa4: {  	s25 =	simm.s32 $0x1B8E;
	s24 =	sld [smem:$0x3FFE];
	[sflag:s23] =	ssyncadd.s32 $0xFFFFFFFF  }
0xa5: {  	s26 =	simm.s32 $execute0_lowered;
	[smem:$0x3FD2] =	sst s25  }
0xa6: {  	s4 =	sshll.u32 s26, $0x1;
	_ =	strace $0x80000049;
	[dreg:$0x1] =	wrdreg $0xFFFFFFFF  }
0xa7: {  	s28 =	simm.s32 $_size_execute0_lowered;
	s2 =	sadd.s32 s2, s4;
	[dreg:$0x0] =	wrdreg $0x0  }
0xa8: {  	s4 =	sshll.u32 s28, $0x1;
	[dreg:$0x2] =	wrdreg s2  }
0xa9: {  	[dreg:$0x3] =	wrdreg s4  }
0xaa: {  	[dreg:$0x4] =	wrdreg $0xC0  }
0xab: {  	_ =	task [dreg:s6], $0x5FFFF  }
0xac: {  	[dreg:$0x1] =	wrdreg $0xFFFFFFFF  }
0xad: {  	[dreg:$0x0] =	wrdreg $0x60  }
0xae: {  	[dreg:$0x2] =	wrdreg s24  }
0xaf: {  	[dreg:$0x3] =	wrdreg $0x146800  }
0xb0: {  	[dreg:$0x4] =	wrdreg $0x15F800  }
0xb1: {  	[dreg:$0x5] =	wrdreg $0x12D800  }
0xb2: {  	[dreg:$0x6] =	wrdreg $0x9  }
0xb3: {  	_ =	task.clear_ibuf [dreg:s6], $0x7FFFF;
	_ =	strace $0x90000049  }
0xb4: {  	s29 =	simm.s32 $0x9;
	_ =	strace $0x8000004B  }
0xb5: {  	_ =	swait.ge [sflag:s29], $0x1  }
0xb6: {  	[sflag:s29] =	ssyncadd.s32 $0xFFFFFFFF  }
0xb7: {  	_ =	strace $0x9000004B  }
0xb8: {  	_ =	sfence  }
0xb9: {  	s30 =	sld [smem:$0x0];
	_ =	sdelay $0x2  }
0xba: {  	s31 =	sshll.u32 s1, $0xD;
	s1 =	sshrl.u32 s1, $0x2  }
0xbb: {  	s3 =	sand.u32 $0x4000, s31;
	s1 =	sadd.s32 s1, s30  }
0xbc: {  	s0 =	sor.u32 s3, s0;
	s1 =	sshll.u32 s1, $0x11  }
0xbd: {  	s0 =	sor.u32 s1, s0  }
0xbe: {  	s0 =	sadd.s32 $0x8F2B, s0  }
0xbf: {  	[sflag:s0] =	ssyncadd.remote.s32 $0x1  }
0xc0: {  	_ =	sfence.sel $0xFFFF  }
0xc1: {  	[dreg:$0x0] =	wrdreg $0xFFFFFFFF;
	(pc) =	sbr.abs _section_cstart, $3  }
0xc2: {  	[dreg:$0x1] =	wrdreg $0xFFFFFFFF  }
0xc3: {  	_ =	task.clear_ibuf [dreg:s6], $0x2FFFF;
	_ =	strace $0x9FFFFFFF  }
0xc4: {  	(tm) =	ssettm $0x7FFFFFFF  }
0xc5: {  	_ =	shalt  }
tec
execute0_lowered:
.L_overlay_start_1:
0x0: {  	(tag) =	ssettag $0x1  }
0x1: {  	s0 =	rddreg [dreg:$0x0]  }
0x2: {  	s2 =	rddreg [dreg:$0x1]  }
0x3: {  	s3 =	rddreg [dreg:$0x2]  }
0x4: {  	s4 =	rddreg [dreg:$0x3];
	s14 =	stileid.u32  }
0x5: {  	s1 =	srdreg.scid;
	s5 =	simm.s32 $0x0;
	s28 =	simm.s32 $0x1  }
0x6: {  	s29 =	simm.s32 $0xED00;
	s30 =	simm.s32 $0x2780;
	s10 =	smul.u32 $0x1900, s14  }
0x7: {  	s31 =	simm.s32 $0x7680;
	s1 =	sand.u32 $0x1, s1;
	s19 =	smul.u32 $0x61A80, s14  }
0x8: {  	[smem:$0x7FF] =	sst s5;
	s8 =	sshll.u32 s14, $0x1;
	s6 =	smul.u32 $0x19000, s1  }
0x9: {  	s15 =	sor.u32 s1, s8;
	s9 =	ssub.s32 $0x2, s1;
	s1 =	smul.u32 $0x30D40, s1  }
0xa: {  	_ =	strace $0x8000004A;
	s7 =	sshrl.u32 s10, $0x3;
	s12 =	smul.u32 $0x30D40, s15  }
0xb: {  	s17 =	sshrl.u32 s9, $0x1;
	s8 =	sadd.s32 s10, s3;
	s11 =	sadd.s32 s7, s0  }
0xc: {  	s6 =	sadd.s32 s10, s6;
	s13 =	ssub.s32 s9, s17;
	s7 =	sadd.s32 s10, s2  }
0xd: {  	s10 =	sadd.s32 s10, s4;
	s23 =	sadd.s32 s1, s19;
	s16 =	sshrl.u32 s6, $0x3  }
0xe: {  	s6 =	sadd.s32 $0x1200, s0;
	s18 =	sshrl.u32 s12, $0x3;
	s11 =	sadd.s32 $0x187C00, s11  }
0xf: {  	[dreg:$0x7] =	wrdreg s10;
	s22 =	smax.u32 s13, $0x1;
	s24 =	sadd.s32 $0x61CF10, s23  }
0x10: {  	s1 =	sadd.s32 $0x2710, s23;
	s25 =	sadd.s32 $0x61F620, s23;
	s13 =	sadd.s32 $0x4E20, s23  }
0x11: {  	s23 =	simm.s32 $0x4;
	s0 =	sadd.s32 s16, s0;
	[dreg:$0x5] =	wrdreg s11  }
0x12: {  	s9 =	sadd.s32 s6, s18;
	[dreg:$0xa] =	wrdreg s22;
	s1 =	sshrl.u32 s1, $0x3  }
0x13: {  	s10 =	sshrl.u32 s24, $0x3;
	s26 =	sshrl.u32 s25, $0x3;
	s22 =	simm.s32 $0x11480  }
0x14: {  	s24 =	simm.s32 $0x4F00;
	s25 =	simm.s32 $0x2710;
	s20 =	sadd.s32 $0xC3500, s9  }
0x15: {  	s11 =	simm.s32 $0x0;
	s21 =	sadd.s32 $0x18AE00, s0;
	s0 =	sadd.s32 $0x191200, s0  }
0x16: {  	s16 =	sadd.s32 $0x5CC6, s9;
	s17 =	sadd.s32 $0xC91C6, s9;
	[dreg:$0x6] =	wrdreg s20  }
0x17: {  	s18 =	sadd.s32 s1, s6;
	s19 =	sadd.s32 s10, s6;
	[dreg:$0x8] =	wrdreg s21  }
0x18: {  	s1 =	simm.s32 $0x2;
	s10 =	simm.s32 $0x3;
	[dreg:$0x9] =	wrdreg s0  }
0x19: {  	v0 =	vimm.f32 $0.0e+00;
	v1 =	vimm.f32 $1.000000000e+00;
	s21 =	sadd.s32 s26, s6;
	s26 =	simm.s32 $0x9E00;
	s0 =	simm.s32 $0xC580  }
.LBB2_1:
0x1a: {  	s12 =	simm.s32 $0x40;
	s20 =	simm.s32 $0x0  }
.LBB2_2:
0x1b: {  	p0 =	sne.s32 s12, $0x63C0;
	[tilespmem:s20+$0x11480] =	vst v0;
	s20 =	smov.u32 s12;
	s12 =	sadd.s32 $0x40, s12  }
.Ltmp0:
0x1c: {  	(pc) =	sbr.rel @p0 .LBB2_2-.Ltmp0, $2  }
0x1d: {  	_ =	sdelay $0x2  }
0x1e: {  	s20 =	sshra.s32 s20, $0x2  }
0x1f: {  	[tilespmem:s20+$0x11480] =	vst v0  }
0x20: {  	[spmem:s7] =	stream.linear.scatter [tilespmem:s22], [sflag:$0x4], $0x1900, $0x38;
	[tilespmem:$0x17880] =	vst v63  }
0x21: {  	_ =	swait.ge [sflag:s23], $0x1900  }
0x22: {  	[sflag:s23] =	ssyncset.done $0x0  }
0x23: {  	[sflag:s23] =	ssyncadd.s32 $0xFFFFE700  }
0x24: {  	[spmem:s8] =	stream.linear.scatter [tilespmem:s22], [sflag:$0x4], $0x1900, $0x38;
	[tilespmem:$0x17880] =	vst v63  }
0x25: {  	_ =	swait.ge [sflag:s23], $0x1900  }
0x26: {  	[sflag:s23] =	ssyncset.done $0x0  }
0x27: {  	s12 =	simm.s32 $0x40;
	s20 =	simm.s32 $0x0;
	[sflag:s23] =	ssyncadd.s32 $0xFFFFE700  }
.LBB2_4:
0x28: {  	p0 =	sne.s32 s12, $0x9C00;
	[tilespmem:s20+$0xED00] =	vst v1;
	s20 =	smov.u32 s12;
	s12 =	sadd.s32 $0x40, s12  }
.Ltmp1:
0x29: {  	(pc) =	sbr.rel @p0 .LBB2_4-.Ltmp1, $2  }
0x2a: {  	_ =	sdelay $0x2  }
0x2b: {  	s20 =	sshra.s32 s20, $0x2  }
0x2c: {  	[tilespmem:s20+$0xED00] =	vst v1;
	s12 =	simm.s32 $0x0;
	s14 =	rddreg [dreg:$0x5]  }
0x2d: {  	[tilespmem:s22], [sflag:$0x4] =	stream.linear.gather [hbm4b:s14+s12], $0x1900, $0x38;
	[tilespmem:$0x17880] =	vst v63  }
0x2e: {  	_ =	swait.ge [sflag:s23], $0x1900  }
0x2f: {  	[sflag:s23] =	ssyncset.done $0x0  }
0x30: {  	s20 =	rddreg [dreg:$0x7];
	[sflag:s23] =	ssyncadd.s32 $0xFFFFE700  }
0x31: {  	[spmem:s20] =	stream.linear.scatter [tilespmem:s22], [sflag:$0x4], $0x1900, $0x38;
	[tilespmem:$0x17880] =	vst v63  }
0x32: {  	_ =	swait.ge [sflag:s23], $0x1900  }
0x33: {  	[sflag:s23] =	ssyncset.done $0x0  }
0x34: {  	[sflag:s23] =	ssyncadd.s32 $0xFFFFE700  }
0x35: {  	[bflag:$0x0] =	sbarrier.arrive $0xFFFF  }
0x36: {  	[tilespmem:s12], [sflag:$0x4] =	stream.linear.gather [hbm4b:s9+s12], $0x2710, $0x38;
	[tilespmem:$0x17880] =	vst v63  }
0x37: {  	_ =	swait.ge [sflag:s23], $0x2710  }
0x38: {  	[sflag:s23] =	ssyncset.done $0x0  }
0x39: {  	s15 =	rddreg [dreg:$0x6];
	[sflag:s23] =	ssyncadd.s32 $0xFFFFD8F0  }
0x3a: {  	[tilespmem:s24], [sflag:$0x4] =	stream.linear.gather [hbm4b:s15+s12], $0x2710, $0x38;
	[tilespmem:$0x17880] =	vst v63  }
0x3b: {  	_ =	swait.ge [sflag:s23], $0x2710  }
0x3c: {  	[sflag:s23] =	ssyncset.done $0x0  }
0x3d: {  	[sflag:s23] =	ssyncadd.s32 $0xFFFFD8F0  }
0x3e: {  	[tilespmem:s26], [sflag:$0x1] =	stream.indirect.gather [spmem:s4], $0x1, s12, s25, $0xb8;
	[tilespmem:$0x17880] =	vst v63  }
0x3f: {  	_ =	swait.ge [sflag:s28], $0x2710  }
0x40: {  	[sflag:s28] =	ssyncset.done $0x0  }
0x41: {  	[sflag:s28] =	ssyncadd.s32 $0xFFFFD8F0  }
0x42: {  	[spmem:s2] =	stream.indirect.scatter.add.f32 [tilespmem:s26], [sflag:$0x2], $0x1, s24, s25, $0xb8;
	[tilespmem:$0x17880] =	vst v63  }
0x43: {  	_ = 	snop  }
0x44: {  	[spmem:s3] =	stream.indirect.scatter.add.f32 [tilespmem:s29], [sflag:$0x2], $0x1, s24, s25, $0xb8;
	[tilespmem:$0x17880] =	vst v63  }
0x45: {  	s20 =	sadd.s32 $0x0, s18  }
0x46: {  	[tilespmem:s30], [sflag:$0x4] =	stream.linear.gather [hbm4b:s20+s5], $0x2710, $0x38;
	[tilespmem:$0x17880] =	vst v63  }
0x47: {  	_ =	swait.ge [sflag:s23], $0x2710  }
0x48: {  	[sflag:s23] =	ssyncset.done $0x0  }
0x49: {  	s14 =	sadd.s32 $0x0, s19;
	[sflag:s23] =	ssyncadd.s32 $0xFFFFD8F0  }
0x4a: {  	[tilespmem:s31], [sflag:$0x4] =	stream.linear.gather [hbm4b:s14+s5], $0x2710, $0x38;
	[tilespmem:$0x17880] =	vst v63  }
0x4b: {  	_ =	swait.ge [sflag:s23], $0x2710  }
0x4c: {  	[sflag:s23] =	ssyncset.done $0x0  }
0x4d: {  	[sflag:s23] =	ssyncadd.s32 $0xFFFFD8F0  }
0x4e: {  	[tilespmem:s0], [sflag:$0x1] =	stream.indirect.gather [spmem:s4], $0x1, s30, s25, $0xb8;
	[tilespmem:$0x17880] =	vst v63  }
0x4f: {  	_ =	swait.ge [sflag:s28], $0x2710  }
0x50: {  	[sflag:s28] =	ssyncset.done $0x0  }
0x51: {  	[sflag:s28] =	ssyncadd.s32 $0xFFFFD8F0  }
0x52: {  	[spmem:s2] =	stream.indirect.scatter.add.f32 [tilespmem:s0], [sflag:$0x3], $0x1, s31, s25, $0xb8;
	[tilespmem:$0x17880] =	vst v63  }
0x53: {  	_ = 	snop  }
0x54: {  	[spmem:s3] =	stream.indirect.scatter.add.f32 [tilespmem:s29], [sflag:$0x3], $0x1, s31, s25, $0xb8;
	[tilespmem:$0x17880] =	vst v63  }
0x55: {  	_ =	swait.ge [sflag:s1], $0x2710  }
0x56: {  	[sflag:s1] =	ssyncset.done $0x0  }
0x57: {  	[sflag:s1] =	ssyncadd.s32 $0xFFFFD8F0  }
0x58: {  	_ =	swait.ge [sflag:s1], $0x2710  }
0x59: {  	s15 =	sshrl.u32 s13, $0x3;
	[sflag:s1] =	ssyncset.done $0x0  }
0x5a: {  	s12 =	sadd.s32 s6, s15;
	[sflag:s1] =	ssyncadd.s32 $0xFFFFD8F0  }
0x5b: {  	[tilespmem:s5], [sflag:$0x4] =	stream.linear.gather [hbm4b:s12+s5], $0x2710, $0x38;
	[tilespmem:$0x17880] =	vst v63  }
0x5c: {  	_ =	swait.ge [sflag:s23], $0x2710  }
0x5d: {  	[sflag:s23] =	ssyncset.done $0x0  }
0x5e: {  	s20 =	sadd.s32 $0x0, s21;
	[sflag:s23] =	ssyncadd.s32 $0xFFFFD8F0  }
0x5f: {  	[tilespmem:s24], [sflag:$0x4] =	stream.linear.gather [hbm4b:s20+s5], $0x2710, $0x38;
	[tilespmem:$0x17880] =	vst v63  }
0x60: {  	_ =	swait.ge [sflag:s23], $0x2710  }
0x61: {  	[sflag:s23] =	ssyncset.done $0x0  }
0x62: {  	[sflag:s23] =	ssyncadd.s32 $0xFFFFD8F0  }
0x63: {  	[tilespmem:s26], [sflag:$0x1] =	stream.indirect.gather [spmem:s4], $0x1, s5, s25, $0xb8;
	[tilespmem:$0x17880] =	vst v63  }
0x64: {  	_ =	swait.ge [sflag:s28], $0x2710  }
0x65: {  	[sflag:s28] =	ssyncset.done $0x0  }
0x66: {  	[sflag:s28] =	ssyncadd.s32 $0xFFFFD8F0  }
0x67: {  	_ =	swait.ge [sflag:s10], $0x2710  }
0x68: {  	[sflag:s10] =	ssyncset.done $0x0  }
0x69: {  	[sflag:s10] =	ssyncadd.s32 $0xFFFFD8F0  }
0x6a: {  	_ =	swait.ge [sflag:s10], $0x2710  }
0x6b: {  	s12 =	simm.s32 $0x9C4;
	s20 =	smov.u32 s13;
	[sflag:s10] =	ssyncset.done $0x0  }
.LBB2_6:
0x6c: {  	p0 =	sne.s32 s12, $0x4E20;
	[sflag:s10] =	ssyncadd.s32 $0xFFFFD8F0;
	s20 =	sadd.s32 $0x4E20, s20  }
0x6d: {  	[spmem:s2] =	stream.indirect.scatter.add.f32 [tilespmem:s26], [sflag:$0x2], $0x1, s24, s25, $0xb8;
	[tilespmem:$0x17880] =	vst v63  }
0x6e: {  	s14 =	smov.u32 s12;
	s12 =	sadd.s32 $0x9C4, s12  }
0x6f: {  	[spmem:s3] =	stream.indirect.scatter.add.f32 [tilespmem:s29], [sflag:$0x2], $0x1, s24, s25, $0xb8;
	[tilespmem:$0x17880] =	vst v63  }
0x70: {  	s15 =	sadd.s32 s14, s18  }
0x71: {  	[tilespmem:s30], [sflag:$0x4] =	stream.linear.gather [hbm4b:s15+s5], $0x2710, $0x38;
	[tilespmem:$0x17880] =	vst v63  }
0x72: {  	_ =	swait.ge [sflag:s23], $0x2710  }
0x73: {  	[sflag:s23] =	ssyncset.done $0x0  }
0x74: {  	s15 =	sadd.s32 s14, s19;
	[sflag:s23] =	ssyncadd.s32 $0xFFFFD8F0  }
0x75: {  	[tilespmem:s31], [sflag:$0x4] =	stream.linear.gather [hbm4b:s15+s5], $0x2710, $0x38;
	[tilespmem:$0x17880] =	vst v63  }
0x76: {  	_ =	swait.ge [sflag:s23], $0x2710  }
0x77: {  	[sflag:s23] =	ssyncset.done $0x0  }
0x78: {  	[sflag:s23] =	ssyncadd.s32 $0xFFFFD8F0  }
0x79: {  	[tilespmem:s0], [sflag:$0x1] =	stream.indirect.gather [spmem:s4], $0x1, s30, s25, $0xb8;
	[tilespmem:$0x17880] =	vst v63  }
0x7a: {  	_ =	swait.ge [sflag:s28], $0x2710  }
0x7b: {  	[sflag:s28] =	ssyncset.done $0x0  }
0x7c: {  	[sflag:s28] =	ssyncadd.s32 $0xFFFFD8F0  }
0x7d: {  	[spmem:s2] =	stream.indirect.scatter.add.f32 [tilespmem:s0], [sflag:$0x3], $0x1, s31, s25, $0xb8;
	[tilespmem:$0x17880] =	vst v63  }
0x7e: {  	_ = 	snop  }
0x7f: {  	[spmem:s3] =	stream.indirect.scatter.add.f32 [tilespmem:s29], [sflag:$0x3], $0x1, s31, s25, $0xb8;
	[tilespmem:$0x17880] =	vst v63  }
0x80: {  	_ =	swait.ge [sflag:s1], $0x2710  }
0x81: {  	[sflag:s1] =	ssyncset.done $0x0  }
0x82: {  	[sflag:s1] =	ssyncadd.s32 $0xFFFFD8F0  }
0x83: {  	_ =	swait.ge [sflag:s1], $0x2710  }
0x84: {  	s15 =	sshrl.u32 s20, $0x3;
	[sflag:s1] =	ssyncset.done $0x0  }
0x85: {  	s15 =	sadd.s32 s6, s15;
	[sflag:s1] =	ssyncadd.s32 $0xFFFFD8F0  }
0x86: {  	[tilespmem:s5], [sflag:$0x4] =	stream.linear.gather [hbm4b:s15+s5], $0x2710, $0x38;
	[tilespmem:$0x17880] =	vst v63  }
0x87: {  	_ =	swait.ge [sflag:s23], $0x2710  }
0x88: {  	[sflag:s23] =	ssyncset.done $0x0  }
0x89: {  	s14 =	sadd.s32 s14, s21;
	[sflag:s23] =	ssyncadd.s32 $0xFFFFD8F0  }
0x8a: {  	[tilespmem:s24], [sflag:$0x4] =	stream.linear.gather [hbm4b:s14+s5], $0x2710, $0x38;
	[tilespmem:$0x17880] =	vst v63  }
0x8b: {  	_ =	swait.ge [sflag:s23], $0x2710  }
0x8c: {  	[sflag:s23] =	ssyncset.done $0x0  }
0x8d: {  	[sflag:s23] =	ssyncadd.s32 $0xFFFFD8F0  }
0x8e: {  	[tilespmem:s26], [sflag:$0x1] =	stream.indirect.gather [spmem:s4], $0x1, s5, s25, $0xb8;
	[tilespmem:$0x17880] =	vst v63  }
0x8f: {  	_ =	swait.ge [sflag:s28], $0x2710  }
0x90: {  	[sflag:s28] =	ssyncset.done $0x0  }
0x91: {  	[sflag:s28] =	ssyncadd.s32 $0xFFFFD8F0  }
.Ltmp2:
0x92: {  	_ =	swait.ge [sflag:s10], $0x2710;
	(pc) =	sbr.rel @p0 .LBB2_6-.Ltmp2, $4  }
0x93: {  	[sflag:s10] =	ssyncset.done $0x0  }
0x94: {  	[sflag:s10] =	ssyncadd.s32 $0xFFFFD8F0  }
0x95: {  	_ =	swait.ge [sflag:s10], $0x2710  }
0x96: {  	[sflag:s10] =	ssyncset.done $0x0  }
0x97: {  	[sflag:s10] =	ssyncadd.s32 $0xFFFFD8F0  }
0x98: {  	[spmem:s2] =	stream.indirect.scatter.add.f32 [tilespmem:s26], [sflag:$0x2], $0x1, s24, s25, $0xb8;
	[tilespmem:$0x17880] =	vst v63  }
0x99: {  	_ = 	snop  }
0x9a: {  	[spmem:s3] =	stream.indirect.scatter.add.f32 [tilespmem:s29], [sflag:$0x2], $0x1, s24, s25, $0xb8;
	[tilespmem:$0x17880] =	vst v63  }
0x9b: {  	_ = 	snop  }
0x9c: {  	[tilespmem:s30], [sflag:$0x4] =	stream.linear.gather [hbm4b:s16+s5], $0x2710, $0x38;
	[tilespmem:$0x17880] =	vst v63  }
0x9d: {  	_ =	swait.ge [sflag:s23], $0x2710  }
0x9e: {  	[sflag:s23] =	ssyncset.done $0x0  }
0x9f: {  	[sflag:s23] =	ssyncadd.s32 $0xFFFFD8F0  }
0xa0: {  	[tilespmem:s31], [sflag:$0x4] =	stream.linear.gather [hbm4b:s17+s5], $0x2710, $0x38;
	[tilespmem:$0x17880] =	vst v63  }
0xa1: {  	_ =	swait.ge [sflag:s23], $0x2710  }
0xa2: {  	[sflag:s23] =	ssyncset.done $0x0  }
0xa3: {  	[sflag:s23] =	ssyncadd.s32 $0xFFFFD8F0  }
0xa4: {  	[tilespmem:s0], [sflag:$0x1] =	stream.indirect.gather [spmem:s4], $0x1, s30, s25, $0xb8;
	[tilespmem:$0x17880] =	vst v63  }
0xa5: {  	_ =	swait.ge [sflag:s28], $0x2710  }
0xa6: {  	[sflag:s28] =	ssyncset.done $0x0  }
0xa7: {  	[sflag:s28] =	ssyncadd.s32 $0xFFFFD8F0  }
0xa8: {  	[spmem:s2] =	stream.indirect.scatter.add.f32 [tilespmem:s0], [sflag:$0x3], $0x1, s31, s25, $0xb8;
	[tilespmem:$0x17880] =	vst v63  }
0xa9: {  	_ = 	snop  }
0xaa: {  	[spmem:s3] =	stream.indirect.scatter.add.f32 [tilespmem:s29], [sflag:$0x3], $0x1, s31, s25, $0xb8;
	[tilespmem:$0x17880] =	vst v63  }
0xab: {  	_ =	swait.ge [sflag:s1], $0x2710  }
0xac: {  	[sflag:s1] =	ssyncset.done $0x0  }
0xad: {  	[sflag:s1] =	ssyncadd.s32 $0xFFFFD8F0  }
0xae: {  	_ =	swait.ge [sflag:s1], $0x2710  }
0xaf: {  	[sflag:s1] =	ssyncset.done $0x0  }
0xb0: {  	[sflag:s1] =	ssyncadd.s32 $0xFFFFD8F0  }
0xb1: {  	[tilespmem:s5], [sflag:$0x4] =	stream.linear.gather [hbm4b:s16+s5], $0x2710, $0x38;
	[tilespmem:$0x17880] =	vst v63  }
0xb2: {  	_ =	swait.ge [sflag:s23], $0x2710  }
0xb3: {  	[sflag:s23] =	ssyncset.done $0x0  }
0xb4: {  	[sflag:s23] =	ssyncadd.s32 $0xFFFFD8F0  }
0xb5: {  	[tilespmem:s24], [sflag:$0x4] =	stream.linear.gather [hbm4b:s17+s5], $0x2710, $0x38;
	[tilespmem:$0x17880] =	vst v63  }
0xb6: {  	_ =	swait.ge [sflag:s23], $0x2710  }
0xb7: {  	[sflag:s23] =	ssyncset.done $0x0  }
0xb8: {  	[sflag:s23] =	ssyncadd.s32 $0xFFFFD8F0  }
0xb9: {  	[tilespmem:s26], [sflag:$0x1] =	stream.indirect.gather [spmem:s4], $0x1, s5, s25, $0xb8;
	[tilespmem:$0x17880] =	vst v63  }
0xba: {  	_ =	swait.ge [sflag:s28], $0x2710  }
0xbb: {  	[sflag:s28] =	ssyncset.done $0x0  }
0xbc: {  	[sflag:s28] =	ssyncadd.s32 $0xFFFFD8F0  }
0xbd: {  	_ =	swait.ge [sflag:s10], $0x2710  }
0xbe: {  	[sflag:s10] =	ssyncset.done $0x0  }
0xbf: {  	[sflag:s10] =	ssyncadd.s32 $0xFFFFD8F0  }
0xc0: {  	_ =	swait.ge [sflag:s10], $0x2710  }
0xc1: {  	[sflag:s10] =	ssyncset.done $0x0  }
0xc2: {  	[sflag:s10] =	ssyncadd.s32 $0xFFFFD8F0  }
0xc3: {  	[bflag:$0x0] =	sbarrier.arrive $0xFFFF  }
0xc4: {  	[tilespmem:s22], [sflag:$0x4] =	stream.linear.gather [spmem:s7], $0x1900, $0x38;
	[tilespmem:$0x17880] =	vst v63  }
0xc5: {  	_ =	swait.ge [sflag:s23], $0x1900  }
0xc6: {  	[sflag:s23] =	ssyncset.done $0x0  }
0xc7: {  	s12 =	rddreg [dreg:$0x8];
	[sflag:s23] =	ssyncadd.s32 $0xFFFFE700  }
0xc8: {  	[hbm4b:s12+s5] =	stream.linear.scatter [tilespmem:s22], [sflag:$0x4], $0x1900, $0x38;
	[tilespmem:$0x17880] =	vst v63  }
0xc9: {  	_ =	swait.ge [sflag:s23], $0x1900  }
0xca: {  	[sflag:s23] =	ssyncset.done $0x0  }
0xcb: {  	[sflag:s23] =	ssyncadd.s32 $0xFFFFE700  }
0xcc: {  	[tilespmem:s22], [sflag:$0x4] =	stream.linear.gather [spmem:s8], $0x1900, $0x38;
	[tilespmem:$0x17880] =	vst v63  }
0xcd: {  	_ =	swait.ge [sflag:s23], $0x1900  }
0xce: {  	[sflag:s23] =	ssyncset.done $0x0  }
0xcf: {  	s15 =	rddreg [dreg:$0x9];
	[sflag:s23] =	ssyncadd.s32 $0xFFFFE700  }
0xd0: {  	[hbm4b:s15+s5] =	stream.linear.scatter [tilespmem:s22], [sflag:$0x4], $0x1900, $0x38;
	[tilespmem:$0x17880] =	vst v63  }
0xd1: {  	_ =	swait.ge [sflag:s23], $0x1900  }
0xd2: {  	s11 =	sadd.s32 $0x1, s11;
	s20 =	rddreg [dreg:$0xa]  }
0xd3: {  	p0 =	sne.s32 s11, s20  }
.Ltmp3:
0xd4: {  	_ = 	snop;
	(pc) =	sbr.rel @p0 .LBB2_1-.Ltmp3, $3  }
0xd5: {  	_ =	sdelay $0x1  }
0xd6: {  	[sflag:s23] =	ssyncset.done $0x0  }
0xd7: {  	[sflag:s23] =	ssyncadd.s32 $0xFFFFE700  }
0xd8: {  	_ =	sfence.sel $0x180000  }
0xd9: {  	[bflag:$0x0] =	sbarrier.arrive $0xFFFF  }
0xda: {  	_ =	strace $0x9000004A  }
0xdb: {  	s0 =	stileid.u32;
	[bflag:$0x2] =	sbarrier.arrive $0xFFFF  }
0xdc: {  	p0 =	sne.s32 s0, $0x0;
	s0 =	rddreg [dreg:$0x4]  }
0xdd: {  	s0 =	sadd.s32 @!p0 $0x100000, s0  }
0xde: {  	[sflag:s0] =	ssyncadd.tile.s32 @!p0 $0x1;
	_ =	shalt  }
.Lfunc_end2:
_tile_overlayer_lowered:
.L_overlay_start_2:
0xdf: {  	(tag) =	ssettag $0x2  }
0xe0: {  	s0 =	rddreg [dreg:$0x0];
	s2 =	stileid.u32  }
0xe1: {  	s1 =	rddreg [dreg:$0x1];
	p0 =	sne.s32 s2, $0x0  }
0xe2: {  	s3 =	rddreg [dreg:$0x2];
	[bflag:$0x3] =	sbarrier.arrive $0xFFFF;
	s2 =	simm.s32 @!p0 $0x1C04  }
0xe3: {  	[timem:s3], [sflag:s2] =	dma.local @!p0 [hbm:s0], s1  }
0xe4: {  	s0 =	simm.s32 @!p0 $0x4  }
0xe5: {  	_ =	swait.ge @!p0 [sflag:s0], s1  }
0xe6: {  	s1 =	ssub.s32 @!p0 $0x0, s1;
	[sflag:s0] =	ssyncset.done @!p0 $0x0  }
0xe7: {  	[sflag:s0] =	ssyncadd.s32 @!p0 s1  }
0xe8: {  	[bflag:$0x3] =	sbarrier.arrive $0xFFFF  }
0xe9: {  	_ =	shalt  }

// kernel: kernel.8.cloned.1.call-start
scs
__scs_entry_jumppad:
0x0: {  	(pc) =	sbr.rel $0x88, $3  }
0x1: {  	(tag) =	ssettag $0x0;
	lr =	simm.s32 $0x1  }
0x2: {  	[smem:$0x3F9B] =	sst lr;
	_ =	strace $0xD0000000  }
0x3: {  	_ = 	snop  }
0x4: {  	_ = 	snop  }
0x5: {  	_ = 	snop  }
0x6: {  	_ = 	snop  }
0x7: {  	_ = 	snop  }
__scs_overlays_trampoline_lowered:
0x8: {  	[smem:$0x3FAA] =	sst s0  }
0x9: {  	[smem:$0x3FAB] =	sst s1  }
0xa: {  	[smem:$0x3FAC] =	sst s2  }
0xb: {  	[smem:$0x3FAD] =	sst s3  }
0xc: {  	[smem:$0x3FAE] =	sst s4  }
0xd: {  	[smem:$0x3FAF] =	sst s5  }
0xe: {  	[smem:$0x3FB0] =	sst s6  }
0xf: {  	[smem:$0x3FB1] =	sst s7  }
0x10: {  	[smem:$0x3FB2] =	sst s8  }
0x11: {  	[smem:$0x3FB3] =	sst s9;
	s0 =	simm.s32 @!p0 $0x0  }
0x12: {  	s1 =	sld [smem:$0x3F99];
	s0 =	simm.s32 @p0 $0x1  }
0x13: {  	[smem:$0x3FB4] =	sst s0;
	s0 =	simm.s32 @!p1 $0x0  }
0x14: {  	s2 =	sld [smem:$0x3F98];
	s0 =	simm.s32 @p1 $0x1  }
0x15: {  	[smem:$0x3FB5] =	sst s0;
	s0 =	simm.s32 @!p2 $0x0  }
0x16: {  	s3 =	sld [smem:$0x3FDB];
	s0 =	simm.s32 @p2 $0x1  }
0x17: {  	s4 =	simm.s32 $0x1BF5;
	[smem:$0x3FB7] =	sst s0  }
0x18: {  	s0 =	sld [smem:$0x3F9A];
	_ =	swait.ge [sflag:s4], $0x0  }
0x19: {  	s7 =	sld [smem:$0x3F9B]  }
0x1a: {  	s8 =	sadd.s32 $0xFFFFE003, lr  }
0x1b: {  	s9 =	sadd.s32 $0xFFFFFEF7, lr;
	s5 =	simm.s32 $0xFFFFFFFF;
	p2 =	slt.u32 s8, $0xFFFFF086  }
0x1c: {  	p1 =	slt.u32 s9, $0xF7A;
	s5 =	simm.s32 @!p2 $0x0  }
0x1d: {  	s5 =	simm.s32 @p1 $0x1;
	p0 =	seq.s32 s7, s2  }
0x1e: {  	s7 =	smul.u32 @!p0 $0xF7A, s2;
	p2 =	seq.s32 @!p0 s5, $0x0  }
0x1f: {  	s9 =	smul.u32 $0xF7A, s1;
	s8 =	simm.s32 @!p0 $0x1BF5;
	p2 =	por !p2, p0  }
0x20: {  	[sflag:s8] =	ssyncset.s32 @!p0 $0xFFFFF086;
	s6 =	sadd.s32 @!p0 s3, s7;
	s7 =	simm.s32 @!p0 $0x108  }
0x21: {  	s3 =	sadd.s32 s3, s9;
	s6 =	sadd.s32 @!p0 $0x88, s6;
	s7 =	simm.s32 @p2 $0x1082  }
0x22: {  	[simem:s7], [sflag:s8] =	dma.local @!p0 [hbm:s6], $0xF7A  }
0x23: {  	s9 =	sor.u32 $0xD0000000, s2;
	s6 =	simm.s32 $0x108;
	_ =	swait.ge @!p0 [sflag:s8], $0x0  }
0x24: {  	s3 =	sadd.s32 $0x88, s3;
	s6 =	simm.s32 @!p1 $0x1082;
	[sflag:s4] =	ssyncset.s32 $0xFFFFF086  }
0x25: {  	[simem:s6], [sflag:s4] =	dma.local [hbm:s3], $0xF7A  }
0x26: {  	[smem:$0x3F9B] =	sst s1;
	(tag) =	ssettag s2;
	_ =	strace s9  }
0x27: {  	s1 =	sld [smem:$0x3FAB]  }
0x28: {  	s2 =	sld [smem:$0x3FAC]  }
0x29: {  	s4 =	sld [smem:$0x3FAE]  }
0x2a: {  	p0 =	seq.s32 s5, $0x0;
	s5 =	sld [smem:$0x3FAF]  }
0x2b: {  	s6 =	sld [smem:$0x3FB0]  }
0x2c: {  	s7 =	sld [smem:$0x3FB1]  }
0x2d: {  	s3 =	simm.s32 $0x108;
	s8 =	sld [smem:$0x3FB2]  }
0x2e: {  	s3 =	simm.s32 @!p0 $0x1082;
	s9 =	sld [smem:$0x3FB3]  }
0x2f: {  	lr =	sadd.s32 s0, s3;
	s0 =	sld [smem:$0x3FAA]  }
0x30: {  	s3 =	sld [smem:$0x3FAD]  }
0x31: {  	[smem:$0x3FB6] =	sst s10  }
0x32: {  	s10 =	sld [smem:$0x3FB4];
	_ =	sdelay $0x3  }
0x33: {  	p0 =	seq.s32 s10, $0x1;
	s10 =	sld [smem:$0x3FB6];
	_ =	sdelay $0x3  }
0x34: {  	[smem:$0x3FB6] =	sst s10  }
0x35: {  	s10 =	sld [smem:$0x3FB5];
	_ =	sdelay $0x3  }
0x36: {  	p1 =	seq.s32 s10, $0x1;
	s10 =	sld [smem:$0x3FB6];
	_ =	sdelay $0x3  }
0x37: {  	[smem:$0x3FB6] =	sst s10  }
0x38: {  	s10 =	sld [smem:$0x3FB7]  }
0x39: {  	_ = 	snop;
	(pc) =	sbr.ind lr, $3  }
0x3a: {  	_ = 	snop  }
0x3b: {  	_ = 	snop  }
0x3c: {  	p2 =	seq.s32 s10, $0x1;
	s10 =	sld [smem:$0x3FB6]  }
0x3d: {  	_ =	shalt  }
0x3e: {  	_ =	shalt  }
0x3f: {  	_ =	shalt  }
0x40: {  	_ =	shalt  }
0x41: {  	_ =	shalt  }
0x42: {  	_ =	shalt  }
0x43: {  	_ =	shalt  }
0x44: {  	_ =	shalt  }
0x45: {  	_ =	shalt  }
0x46: {  	_ =	shalt  }
0x47: {  	_ =	shalt  }
0x48: {  	_ =	shalt  }
0x49: {  	_ =	shalt  }
0x4a: {  	_ =	shalt  }
0x4b: {  	_ =	shalt  }
0x4c: {  	_ =	shalt  }
0x4d: {  	_ =	shalt  }
0x4e: {  	_ =	shalt  }
0x4f: {  	_ =	shalt  }
0x50: {  	_ =	shalt  }
0x51: {  	_ =	shalt  }
0x52: {  	_ =	shalt  }
0x53: {  	_ =	shalt  }
0x54: {  	_ =	shalt  }
0x55: {  	_ =	shalt  }
0x56: {  	_ =	shalt  }
0x57: {  	_ =	shalt  }
0x58: {  	_ =	shalt  }
0x59: {  	_ =	shalt  }
0x5a: {  	_ =	shalt  }
0x5b: {  	_ =	shalt  }
0x5c: {  	_ =	shalt  }
0x5d: {  	_ =	shalt  }
0x5e: {  	_ =	shalt  }
0x5f: {  	_ =	shalt  }
0x60: {  	_ =	shalt  }
0x61: {  	_ =	shalt  }
0x62: {  	_ =	shalt  }
0x63: {  	_ =	shalt  }
0x64: {  	_ =	shalt  }
0x65: {  	_ =	shalt  }
0x66: {  	_ =	shalt  }
0x67: {  	_ =	shalt  }
0x68: {  	_ =	shalt  }
0x69: {  	_ =	shalt  }
0x6a: {  	_ =	shalt  }
0x6b: {  	_ =	shalt  }
0x6c: {  	_ =	shalt  }
0x6d: {  	_ =	shalt  }
0x6e: {  	_ =	shalt  }
0x6f: {  	_ =	shalt  }
0x70: {  	_ =	shalt  }
0x71: {  	_ =	shalt  }
0x72: {  	_ =	shalt  }
0x73: {  	_ =	shalt  }
0x74: {  	_ =	shalt  }
0x75: {  	_ =	shalt  }
0x76: {  	_ =	shalt  }
0x77: {  	_ =	shalt  }
0x78: {  	_ =	shalt  }
0x79: {  	_ =	shalt  }
0x7a: {  	_ =	shalt  }
0x7b: {  	_ =	shalt  }
0x7c: {  	_ =	shalt  }
0x7d: {  	_ =	shalt  }
0x7e: {  	_ =	shalt  }
0x7f: {  	_ =	shalt  }
0x80: {  	_ =	shalt  }
0x81: {  	_ =	shalt  }
0x82: {  	_ =	shalt  }
0x83: {  	_ =	shalt  }
0x84: {  	_ =	shalt  }
0x85: {  	_ =	shalt  }
0x86: {  	_ =	shalt  }
0x87: {  	_ =	shalt  }
.Lfunc_end0:
.L_simem_size_0:
called_computation.2_lowered:
.L_overlay_start_0:
0x88: {  	s2 =	sld [smem:$0x3FD9]  }
0x89: {  	s3 =	sld [smem:$0x3FFE];
	_ =	sdelay $0x1  }
0x8a: {  	s1 =	srdreg.scid  }
0x8b: {  	s0 =	sand.u32 $0x1, s1  }
0x8c: {  	s16 =	sshll.u32 s0, $0xA;
	s2 =	sadd.s32 s3, s2  }
0x8d: {  	s2 =	sadd.s32 s2, s16  }
0x8e: {  	[smem:$0x3FC2] =	sst s2  }
0x8f: {  	_ = 	snop  }
0x90: {  	(tm) =	ssettm $0x1  }
0x91: {  	s17 =	sld [smem:$0x3FFB];
	_ =	sdelay $0x3  }
0x92: {  	_ =	strace s17  }
0x93: {  	s2 =	sld [smem:$0x3FFC];
	_ =	sdelay $0x3  }
0x94: {  	_ =	strace s2  }
0x95: {  	s2 =	sld [smem:$0x3FFD];
	_ =	sdelay $0x3  }
0x96: {  	_ =	strace s2  }
0x97: {  	_ =	strace $0x8FFFFFFF  }
0x98: {  	s18 =	sld [smem:$0x3FDB];
	_ =	sdelay $0x1  }
0x99: {  	s19 =	simm.s32 $_scs_section_size  }
0x9a: {  	s4 =	simm.s32 $_size__tile_overlayer_lowered;
	s5 =	simm.s32 $_tile_overlayer_lowered  }
0x9b: {  	s22 =	simm.s32 $0x1BFF;
	s21 =	sshll.u32 s5, $0x1;
	s2 =	sadd.s32 s19, s18  }
0x9c: {  	s6 =	simm.s32 $0x0;
	s20 =	sshll.u32 s4, $0x1;
	s4 =	sadd.s32 s21, s2  }
0x9d: {  	[timem:s6], [sflag:s22] =	dma.local [hbm:s4], s20  }
0x9e: {  	_ =	swait.ge [sflag:s22], s20  }
0x9f: {  	s3 =	ssub.s32 $0x0, s20;
	[sflag:s22] =	ssyncset.done $0x0  }
0xa0: {  	[sflag:s22] =	ssyncadd.s32 s3;
	_ =	sdelay $0x1  }
0xa1: {  	s23 =	simm.s32 $0x1B8B  }
0xa2: {  	_ =	swait.ge [sflag:s23], $0x1  }
0xa3: {  	[sflag:s23] =	ssyncset.done $0x0  }
0xa4: {  	s25 =	simm.s32 $0x1B8E;
	s24 =	sld [smem:$0x3FFE];
	[sflag:s23] =	ssyncadd.s32 $0xFFFFFFFF  }
0xa5: {  	s26 =	simm.s32 $execute0_lowered;
	[smem:$0x3FD2] =	sst s25  }
0xa6: {  	s4 =	sshll.u32 s26, $0x1;
	_ =	strace $0x8000004C;
	[dreg:$0x1] =	wrdreg $0xFFFFFFFF  }
0xa7: {  	s28 =	simm.s32 $_size_execute0_lowered;
	s2 =	sadd.s32 s2, s4;
	[dreg:$0x0] =	wrdreg $0x0  }
0xa8: {  	s4 =	sshll.u32 s28, $0x1;
	[dreg:$0x2] =	wrdreg s2  }
0xa9: {  	[dreg:$0x3] =	wrdreg s4  }
0xaa: {  	[dreg:$0x4] =	wrdreg $0xC0  }
0xab: {  	_ =	task [dreg:s6], $0x5FFFF  }
0xac: {  	[dreg:$0x1] =	wrdreg $0xFFFFFFFF  }
0xad: {  	[dreg:$0x0] =	wrdreg $0x60  }
0xae: {  	[dreg:$0x2] =	wrdreg s24  }
0xaf: {  	[dreg:$0x3] =	wrdreg $0x183000  }
0xb0: {  	[dreg:$0x4] =	wrdreg $0x19C000  }
0xb1: {  	[dreg:$0x5] =	wrdreg $0x9  }
0xb2: {  	_ =	task.clear_ibuf [dreg:s6], $0x6FFFF;
	_ =	strace $0x9000004C  }
0xb3: {  	s29 =	simm.s32 $0x9;
	_ =	strace $0x8000004E  }
0xb4: {  	_ =	swait.ge [sflag:s29], $0x1  }
0xb5: {  	[sflag:s29] =	ssyncadd.s32 $0xFFFFFFFF  }
0xb6: {  	_ =	strace $0x9000004E  }
0xb7: {  	_ =	sfence  }
0xb8: {  	s30 =	sld [smem:$0x0];
	_ =	sdelay $0x2  }
0xb9: {  	s31 =	sshll.u32 s1, $0xD;
	s1 =	sshrl.u32 s1, $0x2  }
0xba: {  	s3 =	sand.u32 $0x4000, s31;
	s1 =	sadd.s32 s1, s30  }
0xbb: {  	s0 =	sor.u32 s3, s0;
	s1 =	sshll.u32 s1, $0x11  }
0xbc: {  	s0 =	sor.u32 s1, s0  }
0xbd: {  	s0 =	sadd.s32 $0x8F2B, s0  }
0xbe: {  	[sflag:s0] =	ssyncadd.remote.s32 $0x1  }
0xbf: {  	_ =	sfence.sel $0xFFFF  }
0xc0: {  	[dreg:$0x0] =	wrdreg $0xFFFFFFFF;
	(pc) =	sbr.abs _section_cstart, $3  }
0xc1: {  	[dreg:$0x1] =	wrdreg $0xFFFFFFFF  }
0xc2: {  	_ =	task.clear_ibuf [dreg:s6], $0x2FFFF;
	_ =	strace $0x9FFFFFFF  }
0xc3: {  	(tm) =	ssettm $0x7FFFFFFF  }
tec
execute0_lowered:
.L_overlay_start_1:
0x0: {  	(tag) =	ssettag $0x1  }
0x1: {  	s0 =	rddreg [dreg:$0x0]  }
0x2: {  	s2 =	rddreg [dreg:$0x1]  }
0x3: {  	s3 =	rddreg [dreg:$0x2]  }
0x4: {  	s4 =	simm.s32 $0x0;
	s14 =	stileid.u32;
	s1 =	srdreg.scid  }
0x5: {  	s31 =	simm.s32 $0x16A00;
	s28 =	simm.s32 $0x1;
	s29 =	simm.s32 $0x2780  }
0x6: {  	s30 =	simm.s32 $0x7680;
	[smem:$0x7FF] =	sst s4;
	s6 =	smul.u32 $0x1900, s14  }
0x7: {  	s1 =	sand.u32 $0x1, s1;
	s5 =	sadd.s32 $0x1200, s0;
	s8 =	sadd.s32 $0x18AE00, s0  }
0x8: {  	s9 =	sadd.s32 $0x191200, s0;
	s24 =	sshll.u32 s14, $0x1;
	s18 =	smul.u32 $0x61A80, s14  }
0x9: {  	_ =	strace $0x8000004D;
	s7 =	smul.u32 $0x19000, s1;
	s11 =	ssub.s32 $0x2, s1  }
0xa: {  	s10 =	sshrl.u32 s6, $0x3;
	s13 =	sshrl.u32 s11, $0x1;
	s20 =	sadd.s32 s6, s2  }
0xb: {  	s7 =	sadd.s32 s6, s7;
	s12 =	sadd.s32 s10, s0;
	s23 =	ssub.s32 s11, s13  }
0xc: {  	s11 =	sor.u32 s1, s24;
	s25 =	sadd.s32 s8, s10;
	[dreg:$0xa] =	wrdreg s20  }
0xd: {  	s26 =	sadd.s32 $0x3200, s10;
	s15 =	sadd.s32 s9, s10;
	[dreg:$0x4] =	wrdreg s25  }
0xe: {  	s1 =	smul.u32 $0x30D40, s1;
	s8 =	sadd.s32 s8, s26;
	[dreg:$0x6] =	wrdreg s15  }
0xf: {  	s13 =	sadd.s32 s6, s3;
	s9 =	sadd.s32 s9, s26;
	[dreg:$0x5] =	wrdreg s8  }
0x10: {  	s6 =	simm.s32 $0xC580;
	s17 =	sadd.s32 $0x197600, s12;
	[dreg:$0x7] =	wrdreg s9  }
0x11: {  	s7 =	sshrl.u32 s7, $0x3;
	s19 =	sadd.s32 $0x19A800, s12;
	[dreg:$0x8] =	wrdreg s17  }
0x12: {  	s16 =	smul.u32 $0x30D40, s11;
	s0 =	sadd.s32 s7, s0;
	[dreg:$0x9] =	wrdreg s19  }
0x13: {  	s22 =	sadd.s32 s1, s18;
	s17 =	smax.u32 s23, $0x1;
	s7 =	simm.s32 $0x2  }
0x14: {  	s8 =	sshrl.u32 s16, $0x3;
	s16 =	sadd.s32 $0x19DA00, s0;
	s1 =	sadd.s32 $0x2710, s22  }
0x15: {  	s9 =	simm.s32 $0x0;
	s23 =	sadd.s32 $0x61CF10, s22;
	s25 =	sadd.s32 $0x61F620, s22  }
0x16: {  	s11 =	sadd.s32 $0x4E20, s22;
	s0 =	simm.s32 $0x4F00;
	s14 =	sadd.s32 s5, s8  }
0x17: {  	s1 =	sshrl.u32 s1, $0x3;
	s24 =	sshrl.u32 s23, $0x3;
	s26 =	sshrl.u32 s25, $0x3  }
0x18: {  	s25 =	simm.s32 $0x4;
	s8 =	simm.s32 $0x3;
	s21 =	sadd.s32 $0xC3500, s14  }
0x19: {  	s18 =	sadd.s32 $0x5CC6, s14;
	s19 =	sadd.s32 $0xC91C6, s14;
	s20 =	sadd.s32 s1, s5  }
0x1a: {  	s23 =	sadd.s32 s26, s5;
	s1 =	simm.s32 $0x2710;
	s26 =	simm.s32 $0x9E00  }
0x1b: {  	v0 =	vimm.f32 $0.0e+00;
	[dreg:$0xb] =	wrdreg s21;
	s21 =	sadd.s32 s24, s5;
	s24 =	simm.s32 $0xED00  }
.LBB2_1:
0x1c: {  	s10 =	rddreg [dreg:$0x4]  }
0x1d: {  	[tilespmem:s24], [sflag:$0x4] =	stream.linear.gather [hbm4b:s10+s4], $0x1900, $0x38;
	[tilespmem:$0x1B500] =	vst v63  }
0x1e: {  	_ =	swait.ge [sflag:s25], $0x1900  }
0x1f: {  	[sflag:s25] =	ssyncset.done $0x0  }
0x20: {  	s12 =	simm.s32 $0x10600;
	s22 =	rddreg [dreg:$0x5];
	[sflag:s25] =	ssyncadd.s32 $0xFFFFE700  }
0x21: {  	[tilespmem:s12], [sflag:$0x4] =	stream.linear.gather [hbm4b:s22+s4], $0x1900, $0x38;
	[tilespmem:$0x1B500] =	vst v63  }
0x22: {  	_ =	swait.ge [sflag:s25], $0x1900  }
0x23: {  	[sflag:s25] =	ssyncset.done $0x0  }
0x24: {  	s22 =	simm.s32 $0x11F00;
	s15 =	rddreg [dreg:$0x6];
	[sflag:s25] =	ssyncadd.s32 $0xFFFFE700  }
0x25: {  	[tilespmem:s22], [sflag:$0x4] =	stream.linear.gather [hbm4b:s15+s4], $0x1900, $0x38;
	[tilespmem:$0x1B500] =	vst v63  }
0x26: {  	_ =	swait.ge [sflag:s25], $0x1900  }
0x27: {  	[sflag:s25] =	ssyncset.done $0x0  }
0x28: {  	s22 =	simm.s32 $0x13800;
	s15 =	rddreg [dreg:$0x7];
	[sflag:s25] =	ssyncadd.s32 $0xFFFFE700  }
0x29: {  	[tilespmem:s22], [sflag:$0x4] =	stream.linear.gather [hbm4b:s15+s4], $0x1900, $0x38;
	[tilespmem:$0x1B500] =	vst v63  }
0x2a: {  	_ =	swait.ge [sflag:s25], $0x1900  }
0x2b: {  	[sflag:s25] =	ssyncset.done $0x0  }
0x2c: {  	s15 =	simm.s32 $0x15100;
	s12 =	rddreg [dreg:$0x8];
	[sflag:s25] =	ssyncadd.s32 $0xFFFFE700  }
0x2d: {  	[tilespmem:s15], [sflag:$0x4] =	stream.linear.gather [hbm4b:s12+s4], $0x1900, $0x38;
	[tilespmem:$0x1B500] =	vst v63  }
0x2e: {  	_ =	swait.ge [sflag:s25], $0x1900  }
0x2f: {  	[sflag:s25] =	ssyncset.done $0x0  }
0x30: {  	s22 =	rddreg [dreg:$0x9];
	[sflag:s25] =	ssyncadd.s32 $0xFFFFE700  }
0x31: {  	[tilespmem:s31], [sflag:$0x4] =	stream.linear.gather [hbm4b:s22+s4], $0x1900, $0x38;
	[tilespmem:$0x1B500] =	vst v63  }
0x32: {  	_ =	swait.ge [sflag:s25], $0x1900  }
0x33: {  	[sflag:s25] =	ssyncset.done $0x0  }
0x34: {  	s10 =	simm.s32 $0x0;
	[sflag:s25] =	ssyncadd.s32 $0xFFFFE700  }
0x35: {  	v1 =	vld [tilespmem:s10+$0x11F00]  }
0x36: {  	v2 =	vld [tilespmem:s10+$0x13800];
	_ =	sdelay $0x4  }
0x37: {  	v2 =	vadd.f32 v2, v1  }
0x38: {  	v4 =	vld [tilespmem:s10+$0x15100]  }
0x39: {  	v5 =	vld [tilespmem:s10+$0x16A00];
	v2 =	vmax.f32 v2, $1.000000000e+00  }
0x3a: {  	v3 =	vld [tilespmem:s10+$0x10600];
	(erf) = vrcp.f32 v2  }
0x3b: {  	v1 =	vld [tilespmem:s10+$0xED00];
	_ =	sdelay $0x2  }
0x3c: {  	s22 =	simm.s32 $0x10;
	v4 =	vmul.f32 v5, v4  }
0x3d: {  	s12 =	simm.s32 $0x80;
	v2 =	vld [tilespmem:s22+$0x11F00]  }
.LBB2_2:
0x3e: {  	p0 =	sne.s32 s12, $0x63C0;
	v5 =	vld [tilespmem:s22+$0x13800];
	v1 =	vadd.f32 v3, v1;
	v4 =	vmul.f32 v4, v4;
	_ =	sdelay $0x1  }
0x3f: {  	v1 =	vmul.f32 v4, v1  }
0x40: {  	v3 =	vpop (erf)  }
0x41: {  	v1 =	vmul.f32 v1, v3  }
0x42: {  	v2 =	vadd.f32 v5, v2  }
0x43: {  	v4 =	vld [tilespmem:s22+$0x15100];
	[tilespmem:s10+$0x16A00] =	vst v1;
	s10 =	smov.u32 s22  }
0x44: {  	v2 =	vmax.f32 v2, $1.000000000e+00;
	v5 =	vld [tilespmem:s10+$0x16A00]  }
0x45: {  	v1 =	vld [tilespmem:s10+$0xED00];
	(erf) = vrcp.f32 v2  }
.Ltmp0:
0x46: {  	v3 =	vld [tilespmem:s10+$0x10600];
	(pc) =	sbr.rel @p0 .LBB2_2-.Ltmp0, $3  }
0x47: {  	_ =	sdelay $0x1  }
0x48: {  	s22 =	sshra.s32 s12, $0x2;
	v4 =	vmul.f32 v5, v4  }
0x49: {  	s12 =	sadd.s32 $0x40, s12;
	v2 =	vld [tilespmem:s22+$0x11F00]  }
0x4a: {  	v1 =	vadd.f32 v3, v1;
	v3 =	vmul.f32 v4, v4  }
0x4b: {  	v5 =	vld [tilespmem:s22+$0x13800];
	_ =	sdelay $0x1  }
0x4c: {  	v1 =	vmul.f32 v3, v1  }
0x4d: {  	v3 =	vpop (erf)  }
0x4e: {  	v1 =	vmul.f32 v1, v3  }
0x4f: {  	v2 =	vadd.f32 v5, v2  }
0x50: {  	v3 =	vld [tilespmem:s22+$0x15100];
	[tilespmem:s10+$0x16A00] =	vst v1  }
0x51: {  	v1 =	vmax.f32 v2, $1.000000000e+00;
	v2 =	vld [tilespmem:s22+$0x16A00];
	_ =	sdelay $0x1  }
0x52: {  	v63 =	vld [tilespmem:s22+$0xED00];
	(erf) = vrcp.f32 v1  }
0x53: {  	v1 =	vld [tilespmem:s22+$0x10600];
	_ =	sdelay $0x1  }
0x54: {  	v2 =	vmul.f32 v2, v3;
	_ =	sdelay $0x1  }
0x55: {  	v2 =	vmul.f32 v2, v2  }
0x56: {  	v1 =	vadd.f32 v1, v63;
	_ =	sdelay $0x1  }
0x57: {  	v1 =	vmul.f32 v2, v1  }
0x58: {  	v2 =	vpop (erf)  }
0x59: {  	v1 =	vmul.f32 v1, v2;
	_ =	sdelay $0x1  }
0x5a: {  	[tilespmem:s22+$0x16A00] =	vst v1;
	s22 =	rddreg [dreg:$0xa]  }
0x5b: {  	[spmem:s22] =	stream.linear.scatter [tilespmem:s31], [sflag:$0x4], $0x1900, $0x38;
	[tilespmem:$0x1B500] =	vst v63  }
0x5c: {  	_ =	swait.ge [sflag:s25], $0x1900  }
0x5d: {  	[sflag:s25] =	ssyncset.done $0x0  }
0x5e: {  	s12 =	simm.s32 $0x0;
	s10 =	simm.s32 $0x40;
	[sflag:s25] =	ssyncadd.s32 $0xFFFFE700  }
.LBB2_4:
0x5f: {  	p0 =	sne.s32 s10, $0x63C0;
	[tilespmem:s12+$0xED00] =	vst v0;
	s12 =	smov.u32 s10;
	s10 =	sadd.s32 $0x40, s10  }
.Ltmp1:
0x60: {  	(pc) =	sbr.rel @p0 .LBB2_4-.Ltmp1, $2  }
0x61: {  	_ =	sdelay $0x2  }
0x62: {  	s12 =	sshra.s32 s12, $0x2  }
0x63: {  	[tilespmem:s12+$0xED00] =	vst v0  }
0x64: {  	[spmem:s13] =	stream.linear.scatter [tilespmem:s24], [sflag:$0x4], $0x1900, $0x38;
	[tilespmem:$0x1B500] =	vst v63  }
0x65: {  	_ =	swait.ge [sflag:s25], $0x1900  }
0x66: {  	[sflag:s25] =	ssyncset.done $0x0  }
0x67: {  	[sflag:s25] =	ssyncadd.s32 $0xFFFFE700  }
0x68: {  	s10 =	simm.s32 $0x0;
	[bflag:$0x0] =	sbarrier.arrive $0xFFFF  }
0x69: {  	[tilespmem:s10], [sflag:$0x4] =	stream.linear.gather [hbm4b:s14+s10], $0x2710, $0x38;
	[tilespmem:$0x1B500] =	vst v63  }
0x6a: {  	_ =	swait.ge [sflag:s25], $0x2710  }
0x6b: {  	[sflag:s25] =	ssyncset.done $0x0  }
0x6c: {  	s15 =	rddreg [dreg:$0xb];
	[sflag:s25] =	ssyncadd.s32 $0xFFFFD8F0  }
0x6d: {  	[tilespmem:s0], [sflag:$0x4] =	stream.linear.gather [hbm4b:s15+s10], $0x2710, $0x38;
	[tilespmem:$0x1B500] =	vst v63  }
0x6e: {  	_ =	swait.ge [sflag:s25], $0x2710  }
0x6f: {  	[sflag:s25] =	ssyncset.done $0x0  }
0x70: {  	[sflag:s25] =	ssyncadd.s32 $0xFFFFD8F0  }
0x71: {  	[tilespmem:s26], [sflag:$0x1] =	stream.indirect.gather [spmem:s2], $0x1, s0, s1, $0xb8;
	[tilespmem:$0x1B500] =	vst v63  }
0x72: {  	_ =	swait.ge [sflag:s28], $0x2710  }
0x73: {  	[sflag:s28] =	ssyncset.done $0x0  }
0x74: {  	[sflag:s28] =	ssyncadd.s32 $0xFFFFD8F0  }
0x75: {  	[spmem:s3] =	stream.indirect.scatter.add.f32 [tilespmem:s26], [sflag:$0x2], $0x1, s4, s1, $0xb8;
	[tilespmem:$0x1B500] =	vst v63  }
0x76: {  	s22 =	sadd.s32 $0x0, s20  }
0x77: {  	[tilespmem:s29], [sflag:$0x4] =	stream.linear.gather [hbm4b:s22+s4], $0x2710, $0x38;
	[tilespmem:$0x1B500] =	vst v63  }
0x78: {  	_ =	swait.ge [sflag:s25], $0x2710  }
0x79: {  	[sflag:s25] =	ssyncset.done $0x0  }
0x7a: {  	s12 =	sadd.s32 $0x0, s21;
	[sflag:s25] =	ssyncadd.s32 $0xFFFFD8F0  }
0x7b: {  	[tilespmem:s30], [sflag:$0x4] =	stream.linear.gather [hbm4b:s12+s4], $0x2710, $0x38;
	[tilespmem:$0x1B500] =	vst v63  }
0x7c: {  	_ =	swait.ge [sflag:s25], $0x2710  }
0x7d: {  	[sflag:s25] =	ssyncset.done $0x0  }
0x7e: {  	[sflag:s25] =	ssyncadd.s32 $0xFFFFD8F0  }
0x7f: {  	[tilespmem:s6], [sflag:$0x1] =	stream.indirect.gather [spmem:s2], $0x1, s30, s1, $0xb8;
	[tilespmem:$0x1B500] =	vst v63  }
0x80: {  	_ =	swait.ge [sflag:s28], $0x2710  }
0x81: {  	[sflag:s28] =	ssyncset.done $0x0  }
0x82: {  	[sflag:s28] =	ssyncadd.s32 $0xFFFFD8F0  }
0x83: {  	[spmem:s3] =	stream.indirect.scatter.add.f32 [tilespmem:s6], [sflag:$0x3], $0x1, s29, s1, $0xb8;
	[tilespmem:$0x1B500] =	vst v63  }
0x84: {  	_ =	swait.ge [sflag:s7], $0x2710  }
0x85: {  	s15 =	sshrl.u32 s11, $0x3;
	[sflag:s7] =	ssyncset.done $0x0  }
0x86: {  	s10 =	sadd.s32 s5, s15;
	[sflag:s7] =	ssyncadd.s32 $0xFFFFD8F0  }
0x87: {  	[tilespmem:s4], [sflag:$0x4] =	stream.linear.gather [hbm4b:s10+s4], $0x2710, $0x38;
	[tilespmem:$0x1B500] =	vst v63  }
0x88: {  	_ =	swait.ge [sflag:s25], $0x2710  }
0x89: {  	[sflag:s25] =	ssyncset.done $0x0  }
0x8a: {  	s22 =	sadd.s32 $0x0, s23;
	[sflag:s25] =	ssyncadd.s32 $0xFFFFD8F0  }
0x8b: {  	[tilespmem:s0], [sflag:$0x4] =	stream.linear.gather [hbm4b:s22+s4], $0x2710, $0x38;
	[tilespmem:$0x1B500] =	vst v63  }
0x8c: {  	_ =	swait.ge [sflag:s25], $0x2710  }
0x8d: {  	[sflag:s25] =	ssyncset.done $0x0  }
0x8e: {  	[sflag:s25] =	ssyncadd.s32 $0xFFFFD8F0  }
0x8f: {  	[tilespmem:s26], [sflag:$0x1] =	stream.indirect.gather [spmem:s2], $0x1, s0, s1, $0xb8;
	[tilespmem:$0x1B500] =	vst v63  }
0x90: {  	_ =	swait.ge [sflag:s28], $0x2710  }
0x91: {  	[sflag:s28] =	ssyncset.done $0x0  }
0x92: {  	[sflag:s28] =	ssyncadd.s32 $0xFFFFD8F0  }
0x93: {  	_ =	swait.ge [sflag:s8], $0x2710  }
0x94: {  	s10 =	simm.s32 $0x9C4;
	s22 =	smov.u32 s11;
	[sflag:s8] =	ssyncset.done $0x0  }
.LBB2_6:
0x95: {  	p0 =	sne.s32 s10, $0x4E20;
	[sflag:s8] =	ssyncadd.s32 $0xFFFFD8F0;
	s22 =	sadd.s32 $0x4E20, s22  }
0x96: {  	[spmem:s3] =	stream.indirect.scatter.add.f32 [tilespmem:s26], [sflag:$0x2], $0x1, s4, s1, $0xb8;
	[tilespmem:$0x1B500] =	vst v63  }
0x97: {  	s12 =	sadd.s32 s10, s20;
	s15 =	smov.u32 s10;
	s10 =	sadd.s32 $0x9C4, s10  }
0x98: {  	[tilespmem:s29], [sflag:$0x4] =	stream.linear.gather [hbm4b:s12+s4], $0x2710, $0x38;
	[tilespmem:$0x1B500] =	vst v63  }
0x99: {  	_ =	swait.ge [sflag:s25], $0x2710  }
0x9a: {  	[sflag:s25] =	ssyncset.done $0x0  }
0x9b: {  	s12 =	sadd.s32 s15, s21;
	[sflag:s25] =	ssyncadd.s32 $0xFFFFD8F0  }
0x9c: {  	[tilespmem:s30], [sflag:$0x4] =	stream.linear.gather [hbm4b:s12+s4], $0x2710, $0x38;
	[tilespmem:$0x1B500] =	vst v63  }
0x9d: {  	_ =	swait.ge [sflag:s25], $0x2710  }
0x9e: {  	[sflag:s25] =	ssyncset.done $0x0  }
0x9f: {  	[sflag:s25] =	ssyncadd.s32 $0xFFFFD8F0  }
0xa0: {  	[tilespmem:s6], [sflag:$0x1] =	stream.indirect.gather [spmem:s2], $0x1, s30, s1, $0xb8;
	[tilespmem:$0x1B500] =	vst v63  }
0xa1: {  	_ =	swait.ge [sflag:s28], $0x2710  }
0xa2: {  	[sflag:s28] =	ssyncset.done $0x0  }
0xa3: {  	[sflag:s28] =	ssyncadd.s32 $0xFFFFD8F0  }
0xa4: {  	[spmem:s3] =	stream.indirect.scatter.add.f32 [tilespmem:s6], [sflag:$0x3], $0x1, s29, s1, $0xb8;
	[tilespmem:$0x1B500] =	vst v63  }
0xa5: {  	_ =	swait.ge [sflag:s7], $0x2710  }
0xa6: {  	s12 =	sshrl.u32 s22, $0x3;
	[sflag:s7] =	ssyncset.done $0x0  }
0xa7: {  	s12 =	sadd.s32 s5, s12;
	[sflag:s7] =	ssyncadd.s32 $0xFFFFD8F0  }
0xa8: {  	[tilespmem:s4], [sflag:$0x4] =	stream.linear.gather [hbm4b:s12+s4], $0x2710, $0x38;
	[tilespmem:$0x1B500] =	vst v63  }
0xa9: {  	_ =	swait.ge [sflag:s25], $0x2710  }
0xaa: {  	[sflag:s25] =	ssyncset.done $0x0  }
0xab: {  	s12 =	sadd.s32 s15, s23;
	[sflag:s25] =	ssyncadd.s32 $0xFFFFD8F0  }
0xac: {  	[tilespmem:s0], [sflag:$0x4] =	stream.linear.gather [hbm4b:s12+s4], $0x2710, $0x38;
	[tilespmem:$0x1B500] =	vst v63  }
0xad: {  	_ =	swait.ge [sflag:s25], $0x2710  }
0xae: {  	[sflag:s25] =	ssyncset.done $0x0  }
0xaf: {  	[sflag:s25] =	ssyncadd.s32 $0xFFFFD8F0  }
0xb0: {  	[tilespmem:s26], [sflag:$0x1] =	stream.indirect.gather [spmem:s2], $0x1, s0, s1, $0xb8;
	[tilespmem:$0x1B500] =	vst v63  }
.Ltmp2:
0xb1: {  	_ =	swait.ge [sflag:s28], $0x2710;
	(pc) =	sbr.rel @p0 .LBB2_6-.Ltmp2, $4  }
0xb2: {  	[sflag:s28] =	ssyncset.done $0x0  }
0xb3: {  	[sflag:s28] =	ssyncadd.s32 $0xFFFFD8F0  }
0xb4: {  	_ =	swait.ge [sflag:s8], $0x2710  }
0xb5: {  	[sflag:s8] =	ssyncset.done $0x0  }
0xb6: {  	[sflag:s8] =	ssyncadd.s32 $0xFFFFD8F0  }
0xb7: {  	[spmem:s3] =	stream.indirect.scatter.add.f32 [tilespmem:s26], [sflag:$0x2], $0x1, s4, s1, $0xb8;
	[tilespmem:$0x1B500] =	vst v63  }
0xb8: {  	_ = 	snop  }
0xb9: {  	[tilespmem:s29], [sflag:$0x4] =	stream.linear.gather [hbm4b:s18+s4], $0x2710, $0x38;
	[tilespmem:$0x1B500] =	vst v63  }
0xba: {  	_ =	swait.ge [sflag:s25], $0x2710  }
0xbb: {  	[sflag:s25] =	ssyncset.done $0x0  }
0xbc: {  	[sflag:s25] =	ssyncadd.s32 $0xFFFFD8F0  }
0xbd: {  	[tilespmem:s30], [sflag:$0x4] =	stream.linear.gather [hbm4b:s19+s4], $0x2710, $0x38;
	[tilespmem:$0x1B500] =	vst v63  }
0xbe: {  	_ =	swait.ge [sflag:s25], $0x2710  }
0xbf: {  	[sflag:s25] =	ssyncset.done $0x0  }
0xc0: {  	[sflag:s25] =	ssyncadd.s32 $0xFFFFD8F0  }
0xc1: {  	[tilespmem:s6], [sflag:$0x1] =	stream.indirect.gather [spmem:s2], $0x1, s30, s1, $0xb8;
	[tilespmem:$0x1B500] =	vst v63  }
0xc2: {  	_ =	swait.ge [sflag:s28], $0x2710  }
0xc3: {  	[sflag:s28] =	ssyncset.done $0x0  }
0xc4: {  	[sflag:s28] =	ssyncadd.s32 $0xFFFFD8F0  }
0xc5: {  	[spmem:s3] =	stream.indirect.scatter.add.f32 [tilespmem:s6], [sflag:$0x3], $0x1, s29, s1, $0xb8;
	[tilespmem:$0x1B500] =	vst v63  }
0xc6: {  	_ =	swait.ge [sflag:s7], $0x2710  }
0xc7: {  	[sflag:s7] =	ssyncset.done $0x0  }
0xc8: {  	[sflag:s7] =	ssyncadd.s32 $0xFFFFD8F0  }
0xc9: {  	[tilespmem:s4], [sflag:$0x4] =	stream.linear.gather [hbm4b:s18+s4], $0x2710, $0x38;
	[tilespmem:$0x1B500] =	vst v63  }
0xca: {  	_ =	swait.ge [sflag:s25], $0x2710  }
0xcb: {  	[sflag:s25] =	ssyncset.done $0x0  }
0xcc: {  	[sflag:s25] =	ssyncadd.s32 $0xFFFFD8F0  }
0xcd: {  	[tilespmem:s0], [sflag:$0x4] =	stream.linear.gather [hbm4b:s19+s4], $0x2710, $0x38;
	[tilespmem:$0x1B500] =	vst v63  }
0xce: {  	_ =	swait.ge [sflag:s25], $0x2710  }
0xcf: {  	[sflag:s25] =	ssyncset.done $0x0  }
0xd0: {  	[sflag:s25] =	ssyncadd.s32 $0xFFFFD8F0  }
0xd1: {  	[tilespmem:s26], [sflag:$0x1] =	stream.indirect.gather [spmem:s2], $0x1, s0, s1, $0xb8;
	[tilespmem:$0x1B500] =	vst v63  }
0xd2: {  	_ =	swait.ge [sflag:s28], $0x2710  }
0xd3: {  	[sflag:s28] =	ssyncset.done $0x0  }
0xd4: {  	[sflag:s28] =	ssyncadd.s32 $0xFFFFD8F0  }
0xd5: {  	_ =	swait.ge [sflag:s8], $0x2710  }
0xd6: {  	[sflag:s8] =	ssyncset.done $0x0  }
0xd7: {  	[sflag:s8] =	ssyncadd.s32 $0xFFFFD8F0  }
0xd8: {  	[bflag:$0x0] =	sbarrier.arrive $0xFFFF  }
0xd9: {  	[tilespmem:s24], [sflag:$0x4] =	stream.linear.gather [spmem:s13], $0x1900, $0x38;
	[tilespmem:$0x1B500] =	vst v63  }
0xda: {  	s9 =	sadd.s32 $0x1, s9;
	_ =	swait.ge [sflag:s25], $0x1900  }
0xdb: {  	p0 =	sne.s32 s9, s17;
	[sflag:s25] =	ssyncset.done $0x0  }
.Ltmp3:
0xdc: {  	[sflag:s25] =	ssyncadd.s32 $0xFFFFE700;
	(pc) =	sbr.rel @p0 .LBB2_1-.Ltmp3, $4  }
0xdd: {  	[hbm4b:s16+s4] =	stream.linear.scatter [tilespmem:s24], [sflag:$0x4], $0x1900, $0x38;
	[tilespmem:$0x1B500] =	vst v63  }
0xde: {  	_ =	swait.ge [sflag:s25], $0x1900  }
0xdf: {  	[sflag:s25] =	ssyncset.done $0x0  }
0xe0: {  	[sflag:s25] =	ssyncadd.s32 $0xFFFFE700  }
0xe1: {  	_ =	sfence.sel $0x180000  }
0xe2: {  	[bflag:$0x0] =	sbarrier.arrive $0xFFFF  }
0xe3: {  	_ =	strace $0x9000004D  }
0xe4: {  	s0 =	stileid.u32;
	[bflag:$0x2] =	sbarrier.arrive $0xFFFF  }
0xe5: {  	p0 =	sne.s32 s0, $0x0;
	s0 =	rddreg [dreg:$0x3]  }
0xe6: {  	s0 =	sadd.s32 @!p0 $0x100000, s0  }
0xe7: {  	[sflag:s0] =	ssyncadd.tile.s32 @!p0 $0x1;
	_ =	shalt  }
.Lfunc_end2:
_tile_overlayer_lowered:
.L_overlay_start_2:
0xe8: {  	(tag) =	ssettag $0x2  }
0xe9: {  	s0 =	rddreg [dreg:$0x0];
	s2 =	stileid.u32  }
0xea: {  	s1 =	rddreg [dreg:$0x1];
	p0 =	sne.s32 s2, $0x0  }
0xeb: {  	s3 =	rddreg [dreg:$0x2];
	[bflag:$0x3] =	sbarrier.arrive $0xFFFF;
	s2 =	simm.s32 @!p0 $0x1C04  }
0xec: {  	[timem:s3], [sflag:s2] =	dma.local @!p0 [hbm:s0], s1  }
0xed: {  	s0 =	simm.s32 @!p0 $0x4  }
0xee: {  	_ =	swait.ge @!p0 [sflag:s0], s1  }
0xef: {  	s1 =	ssub.s32 @!p0 $0x0, s1;
	[sflag:s0] =	ssyncset.done @!p0 $0x0  }
0xf0: {  	[sflag:s0] =	ssyncadd.s32 @!p0 s1  }
0xf1: {  	[bflag:$0x3] =	sbarrier.arrive $0xFFFF  }
0xf2: {  	_ =	shalt  }

// kernel: sparse-core-data-format-call.cloned.1.call-start
scs
called_computation_lowered:
.L_overlay_start_0:
0x0: {  	s2 =	sld [smem:$0x3FD9]  }
0x1: {  	s3 =	sld [smem:$0x3FFE];
	_ =	sdelay $0x1  }
0x2: {  	s1 =	srdreg.scid  }
0x3: {  	s0 =	sand.u32 $0x1, s1  }
0x4: {  	s18 =	sshll.u32 s0, $0xA;
	s2 =	sadd.s32 s3, s2  }
0x5: {  	s2 =	sadd.s32 s2, s18  }
0x6: {  	[smem:$0x3FC2] =	sst s2  }
0x7: {  	_ = 	snop  }
0x8: {  	s2 =	sld [smem:$0x3FC8];
	(tm) =	ssettm $0x1  }
0x9: {  	s19 =	sld [smem:$0x3FFB];
	_ =	sdelay $0x3  }
0xa: {  	_ =	strace s19  }
0xb: {  	s3 =	sld [smem:$0x3FFC];
	_ =	sdelay $0x3  }
0xc: {  	_ =	strace s3  }
0xd: {  	s3 =	sld [smem:$0x3FFD];
	_ =	sdelay $0x3  }
0xe: {  	_ =	strace s3  }
0xf: {  	_ =	strace $0x8FFFFFFF  }
0x10: {  	s20 =	sld [smem:$0x3FDB];
	_ =	sdelay $0x1  }
0x11: {  	s4 =	simm.s32 $_scs_section_size  }
0x12: {  	s5 =	simm.s32 $_size__tile_overlayer_lowered;
	s6 =	simm.s32 $_tile_overlayer_lowered  }
0x13: {  	s23 =	simm.s32 $0x1BFF;
	s22 =	sshll.u32 s6, $0x1;
	s3 =	sadd.s32 s4, s20  }
0x14: {  	s7 =	simm.s32 $0x0;
	s21 =	sshll.u32 s5, $0x1;
	s5 =	sadd.s32 s22, s3  }
0x15: {  	[timem:s7], [sflag:s23] =	dma.local [hbm:s5], s21  }
0x16: {  	_ =	swait.ge [sflag:s23], s21  }
0x17: {  	s4 =	ssub.s32 $0x0, s21;
	[sflag:s23] =	ssyncset.done $0x0  }
0x18: {  	[sflag:s23] =	ssyncadd.s32 s4;
	_ =	sdelay $0x1  }
0x19: {  	s24 =	simm.s32 $0x1B8B  }
0x1a: {  	_ =	swait.ge [sflag:s24], $0x1  }
0x1b: {  	[sflag:s24] =	ssyncset.done $0x0  }
0x1c: {  	s26 =	simm.s32 $0x1B8E;
	s25 =	sld [smem:$0x3FFE];
	[sflag:s24] =	ssyncadd.s32 $0xFFFFFFFF  }
0x1d: {  	s27 =	simm.s32 $execute0_lowered;
	[smem:$0x3FD2] =	sst s26  }
0x1e: {  	s5 =	sshll.u32 s27, $0x1;
	_ =	strace $0x80000046;
	[dreg:$0x1] =	wrdreg $0xFFFFFFFF  }
0x1f: {  	s28 =	simm.s32 $_size_execute0_lowered;
	s3 =	sadd.s32 s3, s5;
	[dreg:$0x0] =	wrdreg $0x0  }
0x20: {  	s5 =	sshll.u32 s28, $0x1;
	[dreg:$0x2] =	wrdreg s3  }
0x21: {  	[dreg:$0x3] =	wrdreg s5  }
0x22: {  	[dreg:$0x4] =	wrdreg $0xC0  }
0x23: {  	_ =	task [dreg:s7], $0x5FFFF  }
0x24: {  	[dreg:$0x1] =	wrdreg $0xFFFFFFFF  }
0x25: {  	[dreg:$0x0] =	wrdreg $0x60  }
0x26: {  	[dreg:$0x2] =	wrdreg s2  }
0x27: {  	[dreg:$0x3] =	wrdreg s25  }
0x28: {  	[dreg:$0x4] =	wrdreg $0x9  }
0x29: {  	_ =	task.clear_ibuf [dreg:s7], $0x5FFFF;
	_ =	strace $0x90000046  }
0x2a: {  	s29 =	simm.s32 $0x9;
	_ =	strace $0x80000048  }
0x2b: {  	_ =	swait.ge [sflag:s29], $0x1  }
0x2c: {  	[sflag:s29] =	ssyncadd.s32 $0xFFFFFFFF  }
0x2d: {  	_ =	strace $0x90000048  }
0x2e: {  	_ =	sfence  }
0x2f: {  	s30 =	sld [smem:$0x0];
	_ =	sdelay $0x2  }
0x30: {  	s31 =	sshll.u32 s1, $0xD;
	s1 =	sshrl.u32 s1, $0x2  }
0x31: {  	s3 =	sand.u32 $0x4000, s31;
	s1 =	sadd.s32 s1, s30  }
0x32: {  	s0 =	sor.u32 s3, s0;
	s1 =	sshll.u32 s1, $0x11  }
0x33: {  	s0 =	sor.u32 s1, s0  }
0x34: {  	s0 =	sadd.s32 $0x8F2B, s0  }
0x35: {  	[sflag:s0] =	ssyncadd.remote.s32 $0x1  }
0x36: {  	_ =	sfence.sel $0xFFFF  }
0x37: {  	[dreg:$0x0] =	wrdreg $0xFFFFFFFF;
	(pc) =	sbr.abs _section_cstart, $3  }
0x38: {  	[dreg:$0x1] =	wrdreg $0xFFFFFFFF  }
0x39: {  	_ =	task.clear_ibuf [dreg:s7], $0x2FFFF;
	_ =	strace $0x9FFFFFFF  }
0x3a: {  	(tm) =	ssettm $0x7FFFFFFF  }
0x3b: {  	_ =	shalt  }
tec
execute0_lowered:
.L_overlay_start_1:
0x0: {  	(tag) =	ssettag $0x1  }
0x1: {  	s0 =	stileid.u32;
	s7 =	rddreg [dreg:$0x0]  }
0x2: {  	s1 =	srdreg.scid;
	s4 =	rddreg [dreg:$0x1]  }
0x3: {  	s30 =	simm.s32 $0x2;
	s10 =	simm.s32 $0x0;
	s14 =	simm.s32 $0x0  }
0x4: {  	s15 =	simm.s32 $0x0;
	s11 =	simm.s32 $0x0;
	s13 =	simm.s32 $0x0  }
0x5: {  	s2 =	sand.u32 $0x1, s1;
	s3 =	sshll.u32 s0, $0x7;
	s1 =	rddreg [dreg:$0x2]  }
0x6: {  	_ =	strace $0x80000047;
	s5 =	ssub.s32 $0xC300, s3;
	s6 =	ssub.s32 $0x2, s2  }
.Ltmp0:
0x7: {  	s5 =	sshrl.u32 s5, $0xB;
	s8 =	sshrl.u32 s6, $0x1;
	(pc) =	sbr.rel .LBB1_1-.Ltmp0, $4  }
0x8: {  	s4 =	sadd.s32 $0x1200, s4;
	s9 =	sadd.s32 $0x1, s5;
	s6 =	ssub.s32 s6, s8  }
0x9: {  	s31 =	sshll.u32 s2, $0x4;
	s5 =	simm.s32 $0x1;
	s6 =	smul.u32 s9, s6  }
0xa: {  	s12 =	smov.u32 s3;
	s7 =	sadd.s32 s7, s31;
	[sflag:s5] =	ssyncpa.u1 $0x0  }
0xb: {  	s9 =	simm.s32 $0x0;
	[sflag:s30] =	ssyncpa.u1 $0x0;
	s8 =	sadd.s32 $0x1, s6  }
.LBB1_4:
0xc: {  	s21 =	simm.s32 $0x0  }
.LBB1_8:
0xd: {  	_ =	sdelay $0x3  }
0xe: {  	v6 =	vld [tilespmem:s18+$0xFFFFFFC0];
	[tilespmem:v0+s20+$0x30 ss:$0x1] =	vst.idx.msk @p0 $0xffff, v2  }
0xf: {  	v58 =	vld [tilespmem:s18+$0xFFFFFFD0];
	[tilespmem:v0+s20+$0x40 ss:$0x1] =	vst.idx.msk @p0 $0xffff, v3;
	s21 =	sadd.s32 @p0 $0x80, s21  }
0x10: {  	v59 =	vld [tilespmem:s18+$0xFFFFFFE0];
	[tilespmem:v0+s20+$0x50 ss:$0x1] =	vst.idx.msk @p0 $0xffff, v5;
	s19 =	smov.u32 @p0 s21  }
0x11: {  	v60 =	vld [tilespmem:s18+$0xFFFFFFF0];
	[tilespmem:v0+s20+$0x60 ss:$0x1] =	vst.idx.msk @p0 $0xffff, v4;
	s19 =	sand.u32 $0x3F80, s19  }
0x12: {  	v61 =	vld [tilespmem:s18+$0x0];
	[tilespmem:v0+s19+$0x70 ss:$0x1] =	vst.idx.msk $0xffff, v1  }
0x13: {  	v62 =	vld [tilespmem:s18+$0x10];
	[tilespmem:v0+s19+$0x0 ss:$0x1] =	vst.idx.msk $0xffff, v6  }
0x14: {  	v63 =	vld [tilespmem:s18+$0x20];
	[tilespmem:v0+s19+$0x10 ss:$0x1] =	vst.idx.msk $0xffff, v58  }
0x15: {  	[tilespmem:v0+s19+$0x20 ss:$0x1] =	vst.idx.msk $0xffff, v59  }
0x16: {  	[tilespmem:v0+s19+$0x30 ss:$0x1] =	vst.idx.msk $0xffff, v60  }
0x17: {  	[tilespmem:v0+s19+$0x40 ss:$0x1] =	vst.idx.msk $0xffff, v61  }
0x18: {  	[tilespmem:v0+s19+$0x50 ss:$0x1] =	vst.idx.msk $0xffff, v62  }
0x19: {  	[tilespmem:v0+s19+$0x60 ss:$0x1] =	vst.idx.msk $0xffff, v63  }
.LBB1_9:
0x1a: {  	s18 =	sand.u32 $0x1FFFFFF, s11  }
0x1b: {  	s19 =	smulhi.u32 $0x14F8B59, s18;
	_ =	sdelay $0x1  }
0x1c: {  	s19 =	sshrl.u32 s19, $0x8  }
0x1d: {  	s19 =	smul.u32 $0xC350, s19  }
0x1e: {  	s15 =	smul.u32 $0xC3500, s15  }
0x1f: {  	s18 =	ssub.s32 s18, s19  }
0x20: {  	s15 =	sadd.s32 s4, s15;
	s18 =	sshll.u32 s18, $0x4  }
0x21: {  	s15 =	sadd.s32 s18, s15  }
0x22: {  	[hbm4b:s15+s9] =	stream.linear.scatter [tilespmem:s17], [sflag:$0x2], s16, $0x38;
	[tilespmem:$0x10000] =	vst v63  }
.LBB1_10:
0x23: {  	p0 =	slt.u32 s13, $0x2  }
0x24: {  	p1 =	sgt.s32 @!p0 s14, $0xC2D0  }
0x25: {  	s15 =	smov.u32 s14;
	s16 =	sshra.s32 @!p0 s14, $0x1F;
	p1 =	por !p1, p0  }
0x26: {  	s14 =	sand.u32 @!p0 s16, s14;
	s15 =	simm.s32 @p1 $0xC2D0  }
0x27: {  	s14 =	ssub.s32 @!p0 s15, s14  }
0x28: {  	s14 =	sadd.s32 @!p0 $0xFFFF3D30, s14  }
0x29: {  	s15 =	sshll.u32 @!p0 s14, $0x7  }
0x2a: {  	p1 =	sgt.s32 @!p0 s14, $0x7F;
	s14 =	ssub.s32 @!p0 $0x4000, s15  }
0x2b: {  	s16 =	sadd.s32 $0x800, s12;
	p1 =	por !p1, p0;
	s14 =	sand.u32 @!p0 $0x3FFFFF80, s14  }
0x2c: {  	s14 =	simm.s32 @!p1 $0x0;
	p1 =	sgt.s32 s16, $0xC34F  }
0x2d: {  	s16 =	smov.u32 @p1 s3;
	p1 =	sne.s32 s13, s8  }
.Ltmp1:
0x2e: {  	_ = 	snop;
	(pc) =	sbr.rel @!p1 .LBB1_11-.Ltmp1, $4  }
0x2f: {  	s10 =	sadd.s32 $0x4000, s10;
	s15 =	simm.s32 @!p0 $0x2  }
0x30: {  	_ =	swait.ge @!p0 [sflag:s15], s14;
	s17 =	ssub.s32 @!p0 $0x0, s14;
	s14 =	smov.u32 s11  }
0x31: {  	s13 =	sadd.s32 $0x1, s13;
	s11 =	smov.u32 s12;
	[sflag:s15] =	ssyncset.done @!p0 $0x0  }
0x32: {  	s12 =	smov.u32 s16;
	[sflag:s15] =	ssyncadd.s32 @!p0 s17;
	s15 =	smov.u32 s2  }
.LBB1_1:
0x33: {  	p0 =	sge.u32 s13, s6  }
0x34: {  	p1 =	sgt.s32 @!p0 s12, $0xC2D0  }
0x35: {  	s16 =	smov.u32 s12;
	s17 =	sshra.s32 @!p0 s12, $0x1F;
	p1 =	por !p1, p0  }
0x36: {  	s17 =	sand.u32 @!p0 s17, s12;
	s16 =	simm.s32 @p1 $0xC2D0  }
0x37: {  	s16 =	ssub.s32 @!p0 s16, s17  }
0x38: {  	s31 =	sadd.s32 $0xFFFFFFFF, s13;
	s18 =	sxor.u32 @!p0 $0xFFFFFFFF, s13;
	s16 =	sadd.s32 @!p0 $0xFFFF3D30, s16  }
0x39: {  	s19 =	simm.s32 @!p0 $0x80;
	s20 =	simm.s32 @!p0 $0x100;
	s17 =	sshll.u32 @!p0 s16, $0x7  }
0x3a: {  	p1 =	sgt.s32 @!p0 s16, $0x7F;
	s16 =	ssub.s32 @!p0 $0x4000, s17;
	s17 =	sshll.u32 @!p0 s18, $0xE  }
0x3b: {  	p1 =	por !p1, p0;
	s18 =	sshll.u32 @!p0 s12, $0x5;
	s16 =	sand.u32 @!p0 $0x3FFFFF80, s16  }
0x3c: {  	s17 =	sand.u32 @!p0 $0x4000, s17;
	s18 =	sadd.s32 @!p0 s18, s7;
	s16 =	simm.s32 @!p1 $0x0  }
0x3d: {  	[tilespmem:s17], [sflag:$0x1] =	stream.strided.gather @!p0 [hbm4b:s18+s19], s16, s20, s19, $0x38;
	[tilespmem:$0x10000] =	vst v63  }
0x3e: {  	p0 =	sge.u32 s31, s6  }
.Ltmp2:
0x3f: {  	_ = 	snop;
	(pc) =	sbr.rel @p0 .LBB1_10-.Ltmp2, $1  }
0x40: {  	_ =	sdelay $0x3  }
0x41: {  	p0 =	sgt.s32 s11, $0xC2D0;
	s16 =	smov.u32 s11;
	s17 =	sshra.s32 s11, $0x1F  }
0x42: {  	s16 =	simm.s32 @!p0 $0xC2D0;
	s17 =	sand.u32 s17, s11  }
0x43: {  	s16 =	ssub.s32 s16, s17  }
0x44: {  	s16 =	sadd.s32 $0xFFFF3D30, s16  }
0x45: {  	s30 =	sshll.u32 s16, $0x7  }
0x46: {  	s17 =	ssub.s32 $0x4000, s30  }
0x47: {  	p0 =	sgt.s32 s16, $0x7F;
	s16 =	sand.u32 $0x3FFFFF80, s17;
	s17 =	sadd.s32 $0x80, s11  }
0x48: {  	s16 =	simm.s32 @p0 $0x0;
	p0 =	slt.s32 s17, $0xC350  }
0x49: {  	s17 =	simm.s32 @!p0 $0xC350  }
0x4a: {  	s20 =	ssub.s32 s17, s11  }
0x4b: {  	p0 =	slt.s32 s20, $0x1  }
.Ltmp3:
0x4c: {  	_ = 	snop;
	(pc) =	sbr.rel @p0 .LBB1_9-.Ltmp3, $4  }
0x4d: {  	_ = 	snop  }
0x4e: {  	s19 =	sshll.u32 s13, $0xE;
	_ =	swait.ge [sflag:s5], s16  }
0x4f: {  	s31 =	sand.u32 $0x4000, s19;
	s18 =	ssub.s32 $0x0, s16;
	[sflag:s5] =	ssyncset.done $0x0  }
0x50: {  	s17 =	sor.u32 $0x8000, s31;
	[sflag:s5] =	ssyncadd.s32 s18  }
0x51: {  	p1 =	sne.s32 s20, $0x1  }
.Ltmp4:
0x52: {  	v0 =	vmov s17;
	(pc) =	sbr.rel @!p1 .LBB1_4-.Ltmp4, $4  }
0x53: {  	_ = 	snop  }
0x54: {  	s18 =	sand.u32 $0x4000, s10  }
0x55: {  	s18 =	sor.u32 $0x40, s18  }
0x56: {  	s19 =	simm.s32 $0x0;
	s21 =	sadd.s32 $0xFFFFFFFF, s20;
	p0 =	por $0x0, $0x0;
	v1 =	vld [tilespmem:s18+$0x30]  }
0x57: {  	v4 =	vld [tilespmem:s18+$0xFFFFFFC0]  }
0x58: {  	v6 =	vld [tilespmem:s18+$0xFFFFFFD0]  }
0x59: {  	v7 =	vld [tilespmem:s18+$0xFFFFFFE0];
	p1 =	sne.s32 s21, $0x1  }
.Ltmp5:
0x5a: {  	v2 =	vld [tilespmem:s18+$0xFFFFFFF0];
	s20 =	sand.u32 $0x3F80, s19;
	(pc) =	sbr.rel @!p1 .LBB1_6-.Ltmp5, $4  }
0x5b: {  	v3 =	vld [tilespmem:s18+$0x0];
	[tilespmem:v0+s20+$0x70 ss:$0x1] =	vst.idx.msk $0xffff, v1  }
0x5c: {  	v5 =	vld [tilespmem:s18+$0x10];
	[tilespmem:v0+s20+$0x0 ss:$0x1] =	vst.idx.msk $0xffff, v4  }
0x5d: {  	v4 =	vld [tilespmem:s18+$0x20];
	[tilespmem:v0+s20+$0x10 ss:$0x1] =	vst.idx.msk $0xffff, v6;
	s18 =	sadd.s32 $0x80, s18  }
0x5e: {  	s22 =	sadd.s32 $0xFFFFFFFF, s21;
	p0 =	por $0x1, $0x1;
	s21 =	simm.s32 $0x0;
	[tilespmem:v0+s20+$0x20 ss:$0x1] =	vst.idx.msk $0xffff, v7;
	v1 =	vld [tilespmem:s18+$0x30]  }
.LBB1_7:
0x5f: {  	p1 =	sne.s32 s22, $0x1;
	v6 =	vld [tilespmem:s18+$0xFFFFFFC0];
	[tilespmem:v0+s20+$0x30 ss:$0x1] =	vst.idx.msk $0xffff, v2  }
0x60: {  	v7 =	vld [tilespmem:s18+$0xFFFFFFD0];
	[tilespmem:v0+s20+$0x40 ss:$0x1] =	vst.idx.msk $0xffff, v3  }
0x61: {  	s21 =	sadd.s32 $0x80, s21;
	v8 =	vld [tilespmem:s18+$0xFFFFFFE0];
	[tilespmem:v0+s20+$0x50 ss:$0x1] =	vst.idx.msk $0xffff, v5  }
.Ltmp6:
0x62: {  	v2 =	vld [tilespmem:s18+$0xFFFFFFF0];
	[tilespmem:v0+s20+$0x60 ss:$0x1] =	vst.idx.msk $0xffff, v4;
	s20 =	sand.u32 $0x3F80, s21;
	(pc) =	sbr.rel @p1 .LBB1_7-.Ltmp6, $4  }
0x63: {  	v3 =	vld [tilespmem:s18+$0x0];
	[tilespmem:v0+s20+$0x70 ss:$0x1] =	vst.idx.msk $0xffff, v1  }
0x64: {  	[tilespmem:v0+s20+$0x0 ss:$0x1] =	vst.idx.msk $0xffff, v6;
	v5 =	vld [tilespmem:s18+$0x10]  }
0x65: {  	[tilespmem:v0+s20+$0x10 ss:$0x1] =	vst.idx.msk $0xffff, v7;
	v4 =	vld [tilespmem:s18+$0x20];
	s18 =	sadd.s32 $0x80, s18  }
0x66: {  	s22 =	sadd.s32 $0xFFFFFFFF, s22;
	v1 =	vld [tilespmem:s18+$0x30];
	[tilespmem:v0+s20+$0x20 ss:$0x1] =	vst.idx.msk $0xffff, v8  }
.Ltmp7:
0x67: {  	_ = 	snop;
	(pc) =	sbr.rel .LBB1_8-.Ltmp7, $1  }
0x68: {  	_ =	sdelay $0x3  }
.LBB1_6:
.Ltmp8:
0x69: {  	(pc) =	sbr.rel .LBB1_8-.Ltmp8, $2  }
0x6a: {  	_ =	sdelay $0x2  }
0x6b: {  	s21 =	simm.s32 $0x0  }
.LBB1_11:
0x6c: {  	_ =	sfence.sel $0x180000  }
0x6d: {  	s2 =	simm.s32 $0x1;
	[bflag:$0x0] =	sbarrier.arrive $0xFFFF  }
0x6e: {  	s31 =	simm.s32 $0x2;
	[sflag:s2] =	ssyncpa.u1 $0x1  }
0x6f: {  	[sflag:s31] =	ssyncpa.u1 $0x1  }
0x70: {  	p0 =	sne.s32 s0, $0x0;
	_ =	strace $0x90000047  }
0x71: {  	s0 =	sadd.s32 @!p0 $0x100000, s1;
	[bflag:$0x2] =	sbarrier.arrive $0xFFFF  }
0x72: {  	[sflag:s0] =	ssyncadd.tile.s32 @!p0 $0x1;
	_ =	shalt  }
.Lfunc_end1:
_tile_overlayer_lowered:
.L_overlay_start_2:
0x73: {  	(tag) =	ssettag $0x2  }
0x74: {  	s0 =	rddreg [dreg:$0x0];
	s2 =	stileid.u32  }
0x75: {  	s1 =	rddreg [dreg:$0x1];
	p0 =	sne.s32 s2, $0x0  }
0x76: {  	s3 =	rddreg [dreg:$0x2];
	[bflag:$0x3] =	sbarrier.arrive $0xFFFF;
	s2 =	simm.s32 @!p0 $0x1C01  }
0x77: {  	[timem:s3], [sflag:s2] =	dma.local @!p0 [hbm:s0], s1  }
0x78: {  	s0 =	simm.s32 @!p0 $0x1  }
0x79: {  	_ =	swait.ge @!p0 [sflag:s0], s1  }
0x7a: {  	s1 =	ssub.s32 @!p0 $0x0, s1;
	[sflag:s0] =	ssyncset.done @!p0 $0x0  }
0x7b: {  	[sflag:s0] =	ssyncadd.s32 @!p0 s1  }
0x7c: {  	[bflag:$0x3] =	sbarrier.arrive $0xFFFF  }
0x7d: {  	_ =	shalt  }

</sc_bundles>
